<compile_context>
chip_gen: v7x
topology: tpu7x:2x2x1
jax: 0.10.2.dev20260603
libtpu: 0.0.44.dev20260713+nightly
codegen_flags: <defaults>
</compile_context>

<pallas_src>
import functools

import jax
import jax.numpy as jnp
from jax import lax
from jax.experimental import pallas as pl
from jax.experimental.pallas import tpu as pltpu
from jax.experimental.pallas import tpu_sc as plsc

N_NODES = 10000
N_EDGES = 320000
D_IN = 128
D_EDGE = 16
D_NODE = 18
H_FEA = 16
G_POOL = 64

DP = 32
CNT = D_NODE

NC = 2
NS = 16
NW = NC * NS
EPW = 10240
CH = 320
NCHUNK = EPW // CH
CH4 = CH // 4
NP = 10240
RPS = NP // NS


def _node_tables_body(x_ref, wembT_ref, bemb_ref, w12T_ref, a_ref, b_ref):
    h = (jnp.dot(x_ref[...], wembT_ref[...],
                 preferred_element_type=jnp.float32) + bemb_ref[...])
    ab = jnp.dot(h, w12T_ref[...], preferred_element_type=jnp.float32)
    a_ref[...] = ab[:, :DP]
    b_ref[...] = ab[:, DP:]


def _node_tables(x, wembT, bemb, w12T):
    return pl.pallas_call(
        _node_tables_body,
        out_shape=(
            jax.ShapeDtypeStruct((NP, DP), jnp.float32),
            jax.ShapeDtypeStruct((NP, DP), jnp.float32),
        ),
    )(x, wembT, bemb, w12T)


E4 = N_EDGES // 4
_EBLK4 = 5000
_NBLK = E4 // _EBLK4


def _edge_table_body(e0, e1, e2, e3, w_ref, bias_ref, c_ref):
    parts = []
    for ea_ref in (e0, e1, e2, e3):
        parts.append(
            jnp.dot(ea_ref[...], w_ref[...], preferred_element_type=jnp.float32)
            + bias_ref[...]
        )
    c_ref[...] = jnp.concatenate(parts, axis=1)


def _edge_table(edge_attr, w3p, cbias):
    quarter_spec = lambda q: pl.BlockSpec(
        (_EBLK4, D_EDGE), lambda i, q=q: (q * _NBLK + i, 0))
    return pl.pallas_call(
        _edge_table_body,
        grid=(_NBLK,),
        in_specs=[
            quarter_spec(0), quarter_spec(1), quarter_spec(2), quarter_spec(3),
            pl.BlockSpec((D_EDGE, DP), lambda i: (0, 0)),
            pl.BlockSpec((1, DP), lambda i: (0, 0)),
        ],
        out_specs=pl.BlockSpec((_EBLK4, 4 * DP), lambda i: (i, 0)),
        out_shape=jax.ShapeDtypeStruct((E4, 4 * DP), jnp.float32),
    )(edge_attr, edge_attr, edge_attr, edge_attr, w3p, cbias)


def _edge_agg_body(idx_hbm, a_hbm, b_hbm, c_hbm, out_hbm,
                   dst_all, src_all, a0, a1, b0, b1, c0, c1, z_v, acc_sh,
                   sa0, sa1, sb0, sb1, sc0, sc1, ss0, ss1):
    cid = lax.axis_index("c")
    sid = lax.axis_index("s")
    wid = cid * NS + sid
    slots = ((a0, b0, c0, sa0, sb0, sc0, ss0),
             (a1, b1, c1, sa1, sb1, sc1, ss1))
    nchunk = jnp.where(wid == NW - 1, (N_EDGES - (NW - 1) * EPW) // CH, NCHUNK)

    pltpu.sync_copy(idx_hbm.at[wid], src_all)
    pltpu.sync_copy(idx_hbm.at[NW + wid], dst_all)

    def gathers(cn, slot):
        av, bv, cv, sa, sb, sc, _ = slot
        pltpu.async_copy(a_hbm.at[dst_all.at[cn]], av, sa)
        pltpu.async_copy(b_hbm.at[src_all.at[cn]], bv, sb)
        pltpu.async_copy(
            c_hbm.at[pl.ds(wid * (EPW * DP) + cn * (CH * DP), CH * DP)], cv, sc)

    def wait_gathers(cn, slot):
        av, bv, cv, sa, sb, sc, _ = slot
        pltpu.make_async_copy(a_hbm.at[dst_all.at[cn]], av, sa).wait()
        pltpu.make_async_copy(b_hbm.at[src_all.at[cn]], bv, sb).wait()
        pltpu.make_async_copy(
            c_hbm.at[pl.ds(wid * (EPW * DP) + cn * (CH * DP), CH * DP)],
            cv, sc).wait()

    def wait_scatter(cp, slot):
        av, ss = slot[0], slot[6]
        pltpu.make_async_copy(av, acc_sh.at[dst_all.at[cp]], ss).wait()

    gathers(0, slots[0])

    def zrow(j, carry):
        z_v[j, pl.ds(0, 16)] = jnp.zeros((16,), jnp.float32)
        z_v[j, pl.ds(16, 16)] = jnp.zeros((16,), jnp.float32)
        return carry

    lax.fori_loop(0, RPS, zrow, 0)
    pltpu.sync_copy(z_v, acc_sh.at[pl.ds(sid * RPS, RPS)])
    plsc.subcore_barrier()

    def pair(t, carry):
        for b in (0, 1):
            ci = 2 * t + b
            nxt = ci + 1
            cur, nsl = slots[b], slots[1 - b]

            @pl.when(nxt < nchunk)
            def _prefetch():
                @pl.when(ci >= 1)
                def _free():
                    wait_scatter(ci - 1, nsl)
                gathers(nxt, nsl)

            wait_gathers(ci, cur)
            av, bv, cv = cur[0], cur[1], cur[2]

            def mrow(r, inner):
                for q in range(4):
                    for k in range(DP // 16):
                        sl = pl.ds(k * 16, 16)
                        j = q * CH4 + r
                        m = (av[j, sl] + bv[j, sl]
                             + cv[pl.ds(r * 128 + q * DP + k * 16, 16)])
                        av[j, sl] = jnp.maximum(m, 0.0)
                return inner

            lax.fori_loop(0, CH4, mrow, 0)
            pltpu.async_copy(av, acc_sh.at[dst_all.at[ci]], cur[6], add=True)
        return carry

    lax.fori_loop(0, nchunk // 2, pair, 0)
    wait_scatter(0, slots[0])
    wait_scatter(0, slots[1])
    plsc.subcore_barrier()

    pltpu.sync_copy(acc_sh.at[pl.ds(sid * RPS, RPS)], z_v)
    pltpu.sync_copy(z_v, out_hbm.at[cid, pl.ds(sid * RPS, RPS)])


def _edge_agg(idx3, a, b, c_flat):
    mesh = plsc.VectorSubcoreMesh(
        core_axis_name="c", subcore_axis_name="s",
        num_cores=NC, num_subcores=NS,
    )
    f = functools.partial(
        pl.kernel,
        out_type=jax.ShapeDtypeStruct((NC, NP, DP), jnp.float32),
        mesh=mesh,
        scratch_types=[
            pltpu.VMEM((NCHUNK, CH), jnp.int32),
            pltpu.VMEM((NCHUNK, CH), jnp.int32),
            pltpu.VMEM((CH, DP), jnp.float32),
            pltpu.VMEM((CH, DP), jnp.float32),
            pltpu.VMEM((CH, DP), jnp.float32),
            pltpu.VMEM((CH, DP), jnp.float32),
            pltpu.VMEM((CH * DP,), jnp.float32),
            pltpu.VMEM((CH * DP,), jnp.float32),
            pltpu.VMEM((RPS, DP), jnp.float32),
            pltpu.VMEM_SHARED((NP, DP), jnp.float32),
            pltpu.SemaphoreType.DMA,
            pltpu.SemaphoreType.DMA,
            pltpu.SemaphoreType.DMA,
            pltpu.SemaphoreType.DMA,
            pltpu.SemaphoreType.DMA,
            pltpu.SemaphoreType.DMA,
            pltpu.SemaphoreType.DMA,
            pltpu.SemaphoreType.DMA,
        ],
        compiler_params=pltpu.CompilerParams(use_tc_tiling_on_sc=False),
    )(_edge_agg_body)
    return f(idx3, a, b, c_flat)


def kernel(x, edge_index, edge_attr, batch, W_emb, b_emb, W_conv, b_conv,
           W_post, b_post, W_f1, b_f1, W_f2, b_f2, W_f3, b_f3):
    W1 = W_conv[:, :D_NODE]
    W2 = W_conv[:, D_NODE:2 * D_NODE]
    W3 = W_conv[:, 2 * D_NODE:]
    w12T = jnp.zeros((D_NODE, 2 * DP), jnp.float32)
    w12T = w12T.at[:, :D_NODE].set(W1.T)
    w12T = w12T.at[:, DP:DP + D_NODE].set(W2.T)
    w3p = jnp.zeros((D_EDGE, DP), jnp.float32)
    w3p = w3p.at[:, :D_NODE].set(W3.T)
    cbias = jnp.zeros((DP,), jnp.float32)
    cbias = cbias.at[:D_NODE].set(b_conv)
    cbias = cbias.at[CNT].set(1.0)

    xp = jnp.pad(x, ((0, NP - N_NODES), (0, 0)))
    idxp = edge_index.reshape(2, 4, E4)
    idxp = jnp.pad(idxp, ((0, 0), (0, 0), (0, NW * EPW // 4 - E4)))
    idxp = idxp.reshape(2, 4, NW, NCHUNK, CH4).transpose(0, 2, 3, 1, 4)
    idx3 = idxp.reshape(2 * NW, NCHUNK, CH)

    a_tab, b_tab = _node_tables(xp, W_emb.T, b_emb[None, :], w12T)
    c_tab = _edge_table(edge_attr, w3p, cbias[None, :])
    parts = _edge_agg(idx3, a_tab, b_tab, c_tab.reshape(-1))

    s_acc = parts[0, :N_NODES] + parts[1, :N_NODES]
    cnt = jnp.clip(s_acc[:, CNT], 1.0)
    h2 = s_acc[:, :D_NODE] / cnt[:, None]
    h3 = jax.nn.softplus(h2 @ W_post.T + b_post)
    onehot = (batch[:, None] == jnp.arange(G_POOL)[None, :]).astype(jnp.float32)
    psum = onehot.T @ h3
    pcnt = jnp.clip(jnp.sum(onehot, axis=0), 1.0)
    pooled = psum / pcnt[:, None]
    out = jax.nn.relu(pooled @ W_f1.T + b_f1)
    out = jax.nn.relu(out @ W_f2.T + b_f2)
    return out @ W_f3.T + b_f3

# --- scband reference (transcript-rebuilt; emitter-appended) ---
"""Pipeline reference for scband-gnnmodel-8443905704148 (READ-ONLY COPY).

The authoritative reference and input builder live on the scoring server;
editing this copy changes nothing except your own understanding.
"""

import jax, jax.numpy as jnp
import numpy as np

N = 10000
E = 320000
D_IN = 128
D_EDGE = 16
D_NODE = 18
H_FEA = 16
G = 64


def setup_inputs(seed: int = 0) -> dict:
    key = jax.random.key(seed)
    ks = jax.random.split(key, 16)
    x = jax.random.normal(ks[0], (N, D_IN), dtype=jnp.float32)
    edge_index = jax.random.randint(ks[1], (2, E), 0, N, dtype=jnp.int32)
    edge_attr = jax.random.normal(ks[2], (E, D_EDGE), dtype=jnp.float32)
    batch = jnp.sort(jax.random.randint(ks[3], (N,), 0, G, dtype=jnp.int32))
    # parameters (nn.Linear weights: [out, in])
    W_emb = jax.random.normal(ks[4], (D_NODE, D_IN), dtype=jnp.float32) * 0.05
    b_emb = jnp.zeros((D_NODE,), dtype=jnp.float32)
    W_conv = jax.random.normal(ks[5], (D_NODE, 2 * D_NODE + D_EDGE), dtype=jnp.float32) * 0.1
    b_conv = jnp.zeros((D_NODE,), dtype=jnp.float32)
    W_post = jax.random.normal(ks[6], (H_FEA, D_NODE), dtype=jnp.float32) * 0.1
    b_post = jnp.zeros((H_FEA,), dtype=jnp.float32)
    W_f1 = jax.random.normal(ks[7], (8, H_FEA), dtype=jnp.float32) * 0.1
    b_f1 = jnp.zeros((8,), dtype=jnp.float32)
    W_f2 = jax.random.normal(ks[8], (4, 8), dtype=jnp.float32) * 0.1
    b_f2 = jnp.zeros((4,), dtype=jnp.float32)
    W_f3 = jax.random.normal(ks[9], (1, 4), dtype=jnp.float32) * 0.1
    b_f3 = jnp.zeros((1,), dtype=jnp.float32)
    return {"x": x, "edge_index": edge_index, "edge_attr": edge_attr, "batch": batch,
            "W_emb": W_emb, "b_emb": b_emb, "W_conv": W_conv, "b_conv": b_conv,
            "W_post": W_post, "b_post": b_post, "W_f1": W_f1, "b_f1": b_f1,
            "W_f2": W_f2, "b_f2": b_f2, "W_f3": W_f3, "b_f3": b_f3}


def reference(x, edge_index, edge_attr, batch, W_emb, b_emb, W_conv, b_conv,
              W_post, b_post, W_f1, b_f1, W_f2, b_f2, W_f3, b_f3):
    # embedding linear
    h = x @ W_emb.T + b_emb  # [N, D_NODE]
    # CustomConv (PyG convention: edge_index[0]=src (j), edge_index[1]=dst (i))
    src = edge_index[0]
    dst = edge_index[1]
    x_i = jnp.take(h, dst, axis=0)
    x_j = jnp.take(h, src, axis=0)
    z = jnp.concatenate([x_i, x_j, edge_attr], axis=-1)  # [E, 2*D_NODE + D_EDGE]
    m = jax.nn.relu(z @ W_conv.T + b_conv)  # [E, D_NODE]
    # mean aggregation over dst nodes
    sums = jax.ops.segment_sum(m, dst, num_segments=N)
    cnt = jax.ops.segment_sum(jnp.ones((E,), dtype=jnp.float32), dst, num_segments=N)
    h = sums / jnp.clip(cnt, 1.0)[:, None]
    # fc_post_conv: Linear -> Dropout(eval: identity) -> Softplus
    h = jax.nn.softplus(h @ W_post.T + b_post)
    # global_mean_pool over batch assignments
    psum = jax.ops.segment_sum(h, batch, num_segments=G)
    pcnt = jax.ops.segment_sum(jnp.ones((N,), dtype=jnp.float32), batch, num_segments=G)
    pooled = psum / jnp.clip(pcnt, 1.0)[:, None]  # [G, H_FEA]
    # final_fc: Linear->ReLU->Linear->ReLU->Linear
    out = jax.nn.relu(pooled @ W_f1.T + b_f1)
    out = jax.nn.relu(out @ W_f2.T + b_f2)
    out = out @ W_f3.T + b_f3  # [G, 1]
    return out

if __name__ == "__main__":
    import jax
    _d = setup_inputs()
    print(jax.jit(kernel)(*tuple(_d.values())))

</pallas_src>

<mosaic_0001>
#map = affine_map<(d0, d1) -> (0, 0, 0)>
#map1 = affine_map<(d0, d1) -> (0, 0)>
#map2 = affine_map<(d0, d1) -> (0)>
module attributes {stable_mosaic.version = 14 : i64} {
  func.func @_edge_agg_body(%arg0: i32, %arg1: i32, %arg2: memref<64x32x320xi32, #tpu.memory_space<hbm>>, %arg3: memref<10240x32xf32, #tpu.memory_space<hbm>>, %arg4: memref<10240x32xf32, #tpu.memory_space<hbm>>, %arg5: memref<10240000xf32, #tpu.memory_space<hbm>>, %arg6: memref<2x10240x32xf32, #tpu.memory_space<hbm>>, %arg7: memref<32x320xi32, #tpu.memory_space<vmem>>, %arg8: memref<32x320xi32, #tpu.memory_space<vmem>>, %arg9: memref<320x32xf32, #tpu.memory_space<vmem>>, %arg10: memref<320x32xf32, #tpu.memory_space<vmem>>, %arg11: memref<320x32xf32, #tpu.memory_space<vmem>>, %arg12: memref<320x32xf32, #tpu.memory_space<vmem>>, %arg13: memref<10240xf32, #tpu.memory_space<vmem>>, %arg14: memref<10240xf32, #tpu.memory_space<vmem>>, %arg15: memref<640x32xf32, #tpu.memory_space<vmem>>, %arg16: memref<10240x32xf32, #tpu.memory_space<vmem_shared>>, %arg17: memref<!tpu.dma_semaphore, #tpu.memory_space<semaphore_mem>>, %arg18: memref<!tpu.dma_semaphore, #tpu.memory_space<semaphore_mem>>, %arg19: memref<!tpu.dma_semaphore, #tpu.memory_space<semaphore_mem>>, %arg20: memref<!tpu.dma_semaphore, #tpu.memory_space<semaphore_mem>>, %arg21: memref<!tpu.dma_semaphore, #tpu.memory_space<semaphore_mem>>, %arg22: memref<!tpu.dma_semaphore, #tpu.memory_space<semaphore_mem>>, %arg23: memref<!tpu.dma_semaphore, #tpu.memory_space<semaphore_mem>>, %arg24: memref<!tpu.dma_semaphore, #tpu.memory_space<semaphore_mem>>) attributes {dimension_semantics = [#tpu.dimension_semantics<core_parallel>, #tpu.dimension_semantics<subcore_parallel>], iteration_bounds = array<i64: 2, 16>, scalar_prefetch = 0 : i64, scratch_operands = 18 : i64, tpu.core_type = #tpu.core_type<sc_vector_subcore>, window_params = [{transform_indices = #map}, {transform_indices = #map1}, {transform_indices = #map1}, {transform_indices = #map2}, {transform_indices = #map}]} {
    %mul3A = arith.constant 16 : i32
    %mul3A_0 = arith.muli %arg0, %mul3A : i32
    %add3A = arith.addi %mul3A_0, %arg1 : i32
    %eq3A = arith.constant 31 : i32
    %eq3A_1 = arith.cmpi eq, %add3A, %eq3A : i32
    %jit3A = arith.constant 8 : i32
    %jit3A_2 = arith.constant 32 : i32
    %select_n3A = arith.select %eq3A_1, %jit3A, %jit3A_2 : i32
    "tpu.region"() ({
      %run_scoped3A = tpu.sem_alloc : memref<!tpu.dma_semaphore, #tpu.memory_space<semaphore_mem>>
      %dma_start3A_76 = arith.constant 0 : i32
      %dma_start3A_77 = arith.constant 0 : i32
      %dma_start3A_78 = tpu.memref_slice %arg2[%add3A, %dma_start3A_76, %dma_start3A_77] : memref<64x32x320xi32, #tpu.memory_space<hbm>> -> memref<1x32x320xi32, #tpu.memory_space<hbm>>
      %dma_start3A_79 = tpu.memref_squeeze %dma_start3A_78 : memref<1x32x320xi32, #tpu.memory_space<hbm>> -> memref<32x320xi32, #tpu.memory_space<hbm>>
      %dma_start3A_80 = arith.constant 0 : i32
      %dma_start3A_81 = arith.constant 0 : i32
      %dma_start3A_82 = tpu.memref_slice %arg2[%add3A, %dma_start3A_80, %dma_start3A_81] : memref<64x32x320xi32, #tpu.memory_space<hbm>> -> memref<1x32x320xi32, #tpu.memory_space<hbm>>
      %dma_start3A_83 = tpu.memref_squeeze %dma_start3A_82 : memref<1x32x320xi32, #tpu.memory_space<hbm>> -> memref<32x320xi32, #tpu.memory_space<hbm>>
      tpu.enqueue_dma source(%dma_start3A_83 : memref<32x320xi32, #tpu.memory_space<hbm>>) target(%arg8 : memref<32x320xi32, #tpu.memory_space<vmem>>) target_semaphore(%run_scoped3A : memref<!tpu.dma_semaphore, #tpu.memory_space<semaphore_mem>>)
      %dma_wait3A_84 = arith.constant 0 : i32
      %dma_wait3A_85 = arith.constant 0 : i32
      %dma_wait3A_86 = tpu.memref_slice %arg2[%add3A, %dma_wait3A_84, %dma_wait3A_85] : memref<64x32x320xi32, #tpu.memory_space<hbm>> -> memref<1x32x320xi32, #tpu.memory_space<hbm>>
      %dma_wait3A_87 = tpu.memref_squeeze %dma_wait3A_86 : memref<1x32x320xi32, #tpu.memory_space<hbm>> -> memref<32x320xi32, #tpu.memory_space<hbm>>
      %dma_wait3A_88 = arith.constant 0 : i32
      %dma_wait3A_89 = arith.constant 0 : i32
      %dma_wait3A_90 = tpu.memref_slice %arg2[%add3A, %dma_wait3A_88, %dma_wait3A_89] : memref<64x32x320xi32, #tpu.memory_space<hbm>> -> memref<1x32x320xi32, #tpu.memory_space<hbm>>
      %dma_wait3A_91 = tpu.memref_squeeze %dma_wait3A_90 : memref<1x32x320xi32, #tpu.memory_space<hbm>> -> memref<32x320xi32, #tpu.memory_space<hbm>>
      tpu.wait_dma2 semaphore(%run_scoped3A : memref<!tpu.dma_semaphore, #tpu.memory_space<semaphore_mem>>) src(%dma_wait3A_91 : memref<32x320xi32, #tpu.memory_space<hbm>>) dst(%arg8 : memref<32x320xi32, #tpu.memory_space<vmem>>)
      tpu.yield
    }) : () -> ()
    %add3A_3 = arith.constant 32 : i32
    %add3A_4 = arith.addi %add3A_3, %add3A : i32
    "tpu.region"() ({
      %run_scoped3A = tpu.sem_alloc : memref<!tpu.dma_semaphore, #tpu.memory_space<semaphore_mem>>
      %dma_start3A_76 = arith.constant 0 : i32
      %dma_start3A_77 = arith.constant 0 : i32
      %dma_start3A_78 = tpu.memref_slice %arg2[%add3A_4, %dma_start3A_76, %dma_start3A_77] : memref<64x32x320xi32, #tpu.memory_space<hbm>> -> memref<1x32x320xi32, #tpu.memory_space<hbm>>
      %dma_start3A_79 = tpu.memref_squeeze %dma_start3A_78 : memref<1x32x320xi32, #tpu.memory_space<hbm>> -> memref<32x320xi32, #tpu.memory_space<hbm>>
      %dma_start3A_80 = arith.constant 0 : i32
      %dma_start3A_81 = arith.constant 0 : i32
      %dma_start3A_82 = tpu.memref_slice %arg2[%add3A_4, %dma_start3A_80, %dma_start3A_81] : memref<64x32x320xi32, #tpu.memory_space<hbm>> -> memref<1x32x320xi32, #tpu.memory_space<hbm>>
      %dma_start3A_83 = tpu.memref_squeeze %dma_start3A_82 : memref<1x32x320xi32, #tpu.memory_space<hbm>> -> memref<32x320xi32, #tpu.memory_space<hbm>>
      tpu.enqueue_dma source(%dma_start3A_83 : memref<32x320xi32, #tpu.memory_space<hbm>>) target(%arg7 : memref<32x320xi32, #tpu.memory_space<vmem>>) target_semaphore(%run_scoped3A : memref<!tpu.dma_semaphore, #tpu.memory_space<semaphore_mem>>)
      %dma_wait3A_84 = arith.constant 0 : i32
      %dma_wait3A_85 = arith.constant 0 : i32
      %dma_wait3A_86 = tpu.memref_slice %arg2[%add3A_4, %dma_wait3A_84, %dma_wait3A_85] : memref<64x32x320xi32, #tpu.memory_space<hbm>> -> memref<1x32x320xi32, #tpu.memory_space<hbm>>
      %dma_wait3A_87 = tpu.memref_squeeze %dma_wait3A_86 : memref<1x32x320xi32, #tpu.memory_space<hbm>> -> memref<32x320xi32, #tpu.memory_space<hbm>>
      %dma_wait3A_88 = arith.constant 0 : i32
      %dma_wait3A_89 = arith.constant 0 : i32
      %dma_wait3A_90 = tpu.memref_slice %arg2[%add3A_4, %dma_wait3A_88, %dma_wait3A_89] : memref<64x32x320xi32, #tpu.memory_space<hbm>> -> memref<1x32x320xi32, #tpu.memory_space<hbm>>
      %dma_wait3A_91 = tpu.memref_squeeze %dma_wait3A_90 : memref<1x32x320xi32, #tpu.memory_space<hbm>> -> memref<32x320xi32, #tpu.memory_space<hbm>>
      tpu.wait_dma2 semaphore(%run_scoped3A : memref<!tpu.dma_semaphore, #tpu.memory_space<semaphore_mem>>) src(%dma_wait3A_91 : memref<32x320xi32, #tpu.memory_space<hbm>>) dst(%arg7 : memref<32x320xi32, #tpu.memory_space<vmem>>)
      tpu.yield
    }) : () -> ()
    %dma_start3A = arith.constant 0 : i32
    %dma_start3A_5 = arith.constant 0 : i32
    %dma_start3A_6 = tpu.memref_slice %arg7[%dma_start3A, %dma_start3A_5] : memref<32x320xi32, #tpu.memory_space<vmem>> -> memref<1x320xi32, #tpu.memory_space<vmem>>
    %dma_start3A_7 = tpu.memref_squeeze %dma_start3A_6 : memref<1x320xi32, #tpu.memory_space<vmem>> -> memref<320xi32, #tpu.memory_space<vmem>>
    %dma_start3A_8 = arith.constant 0 : i32
    %dma_start3A_9 = arith.constant 0 : i32
    %dma_start3A_10 = tpu.memref_slice %arg3[%dma_start3A_8, %dma_start3A_9] : memref<10240x32xf32, #tpu.memory_space<hbm>> -> memref<10240x32xf32, #tpu.memory_space<hbm>>
    tpu.enqueue_indirect_dma source(%dma_start3A_10 : memref<10240x32xf32, #tpu.memory_space<hbm>>) target(%arg9 : memref<320x32xf32, #tpu.memory_space<vmem>>) offsets(%dma_start3A_7 : memref<320xi32, #tpu.memory_space<vmem>>) semaphore(%arg17 : memref<!tpu.dma_semaphore, #tpu.memory_space<semaphore_mem>>)
    %dma_start3A_11 = arith.constant 0 : i32
    %dma_start3A_12 = arith.constant 0 : i32
    %dma_start3A_13 = tpu.memref_slice %arg8[%dma_start3A_11, %dma_start3A_12] : memref<32x320xi32, #tpu.memory_space<vmem>> -> memref<1x320xi32, #tpu.memory_space<vmem>>
    %dma_start3A_14 = tpu.memref_squeeze %dma_start3A_13 : memref<1x320xi32, #tpu.memory_space<vmem>> -> memref<320xi32, #tpu.memory_space<vmem>>
    %dma_start3A_15 = arith.constant 0 : i32
    %dma_start3A_16 = arith.constant 0 : i32
    %dma_start3A_17 = tpu.memref_slice %arg4[%dma_start3A_15, %dma_start3A_16] : memref<10240x32xf32, #tpu.memory_space<hbm>> -> memref<10240x32xf32, #tpu.memory_space<hbm>>
    tpu.enqueue_indirect_dma source(%dma_start3A_17 : memref<10240x32xf32, #tpu.memory_space<hbm>>) target(%arg11 : memref<320x32xf32, #tpu.memory_space<vmem>>) offsets(%dma_start3A_14 : memref<320xi32, #tpu.memory_space<vmem>>) semaphore(%arg19 : memref<!tpu.dma_semaphore, #tpu.memory_space<semaphore_mem>>)
    %mul3A_18 = arith.constant 327680 : i32
    %mul3A_19 = arith.muli %add3A, %mul3A_18 : i32
    %add3A_20 = arith.constant 0 : i32
    %add3A_21 = arith.addi %mul3A_19, %add3A_20 : i32
    %dma_start3A_22 = tpu.memref_slice %arg5[%add3A_21] : memref<10240000xf32, #tpu.memory_space<hbm>> -> memref<10240xf32, #tpu.memory_space<hbm>>
    %dma_start3A_23 = tpu.memref_slice %arg5[%add3A_21] : memref<10240000xf32, #tpu.memory_space<hbm>> -> memref<10240xf32, #tpu.memory_space<hbm>>
    tpu.enqueue_dma source(%dma_start3A_23 : memref<10240xf32, #tpu.memory_space<hbm>>) target(%arg13 : memref<10240xf32, #tpu.memory_space<vmem>>) target_semaphore(%arg21 : memref<!tpu.dma_semaphore, #tpu.memory_space<semaphore_mem>>)
    %scan3A = arith.constant 0 : i32
    %scan3A_24 = arith.constant 0 : i32
    %scan3A_25 = arith.constant 640 : i32
    %scan3A_26 = arith.addi %scan3A_24, %scan3A_25 : i32
    %scan3A_27 = arith.constant 1 : i32
    scf.for %scan3A_76 = %scan3A_24 to %scan3A_26 step %scan3A_27  : i32 {
      %broadcast_in_dim3A = arith.constant 0.000000e+00 : f32
      %broadcast_in_dim3A_77 = vector.broadcast %broadcast_in_dim3A : f32 to vector<16xf32>
      %swap3A = arith.index_cast %scan3A_76 : i32 to index
      %swap3A_78 = arith.constant 0 : index
      %swap3A_79 = tpu.vector_load %arg15[%swap3A, %swap3A_78] {strides = array<i32>} : memref<640x32xf32, #tpu.memory_space<vmem>>, vector<1x16xf32>,
      %swap3A_80 = vector.shape_cast %swap3A_79 : vector<1x16xf32> to vector<16xf32>
      %swap3A_81 = vector.shape_cast %broadcast_in_dim3A_77 : vector<16xf32> to vector<1x16xf32>
      tpu.vector_store %arg15[%swap3A, %swap3A_78], %swap3A_81 {strides = array<i32>} : memref<640x32xf32, #tpu.memory_space<vmem>>, vector<1x16xf32>,
      %broadcast_in_dim3A_82 = arith.constant 0.000000e+00 : f32
      %broadcast_in_dim3A_83 = vector.broadcast %broadcast_in_dim3A_82 : f32 to vector<16xf32>
      %swap3A_84 = arith.index_cast %scan3A_76 : i32 to index
      %swap3A_85 = arith.constant 16 : index
      %swap3A_86 = tpu.vector_load %arg15[%swap3A_84, %swap3A_85] {strides = array<i32>} : memref<640x32xf32, #tpu.memory_space<vmem>>, vector<1x16xf32>,
      %swap3A_87 = vector.shape_cast %swap3A_86 : vector<1x16xf32> to vector<16xf32>
      %swap3A_88 = vector.shape_cast %broadcast_in_dim3A_83 : vector<16xf32> to vector<1x16xf32>
      tpu.vector_store %arg15[%swap3A_84, %swap3A_85], %swap3A_88 {strides = array<i32>} : memref<640x32xf32, #tpu.memory_space<vmem>>, vector<1x16xf32>,
    }
    %scan3A_28 = arith.constant 640 : i32
    %mul3A_29 = arith.constant 640 : i32
    %mul3A_30 = arith.muli %arg1, %mul3A_29 : i32
    "tpu.region"() ({
      %run_scoped3A = tpu.sem_alloc : memref<!tpu.dma_semaphore, #tpu.memory_space<semaphore_mem>>
      %dma_start3A_76 = arith.constant 0 : i32
      %dma_start3A_77 = tpu.memref_slice %arg16[%mul3A_30, %dma_start3A_76] : memref<10240x32xf32, #tpu.memory_space<vmem_shared>> -> memref<640x32xf32, #tpu.memory_space<vmem_shared>>
      %dma_start3A_78 = arith.constant 0 : i32
      %dma_start3A_79 = tpu.memref_slice %arg16[%mul3A_30, %dma_start3A_78] : memref<10240x32xf32, #tpu.memory_space<vmem_shared>> -> memref<640x32xf32, #tpu.memory_space<vmem_shared>>
      tpu.enqueue_dma source(%arg15 : memref<640x32xf32, #tpu.memory_space<vmem>>) target(%dma_start3A_79 : memref<640x32xf32, #tpu.memory_space<vmem_shared>>) target_semaphore(%run_scoped3A : memref<!tpu.dma_semaphore, #tpu.memory_space<semaphore_mem>>)
      %dma_wait3A_80 = arith.constant 0 : i32
      %dma_wait3A_81 = tpu.memref_slice %arg16[%mul3A_30, %dma_wait3A_80] : memref<10240x32xf32, #tpu.memory_space<vmem_shared>> -> memref<640x32xf32, #tpu.memory_space<vmem_shared>>
      %dma_wait3A_82 = arith.constant 0 : i32
      %dma_wait3A_83 = tpu.memref_slice %arg16[%mul3A_30, %dma_wait3A_82] : memref<10240x32xf32, #tpu.memory_space<vmem_shared>> -> memref<640x32xf32, #tpu.memory_space<vmem_shared>>
      tpu.wait_dma2 semaphore(%run_scoped3A : memref<!tpu.dma_semaphore, #tpu.memory_space<semaphore_mem>>) src(%arg15 : memref<640x32xf32, #tpu.memory_space<vmem>>) dst(%dma_wait3A_83 : memref<640x32xf32, #tpu.memory_space<vmem_shared>>)
      tpu.yield
    }) : () -> ()
    %barrier3A = arith.constant 0 : index
    tpu.barrier barrier_id(%barrier3A)
    %jit3A_31 = arith.constant 2 : i32
    %div3A = arith.divsi %select_n3A, %jit3A_31 : i32
    %sign3A = arith.constant 0 : i32
    %sign3A_32 = arith.cmpi sgt, %select_n3A, %sign3A : i32
    %sign3A_33 = arith.extui %sign3A_32 : i1 to i32
    %sign3A_34 = arith.constant 0 : i32
    %sign3A_35 = arith.cmpi slt, %select_n3A, %sign3A_34 : i32
    %sign3A_36 = arith.extui %sign3A_35 : i1 to i32
    %sign3A_37 = arith.subi %sign3A_33, %sign3A_36 : i32
    %sign3A_38 = arith.constant 0 : i32
    %sign3A_39 = arith.cmpi sgt, %jit3A_31, %sign3A_38 : i32
    %sign3A_40 = arith.extui %sign3A_39 : i1 to i32
    %sign3A_41 = arith.constant 0 : i32
    %sign3A_42 = arith.cmpi slt, %jit3A_31, %sign3A_41 : i32
    %sign3A_43 = arith.extui %sign3A_42 : i1 to i32
    %sign3A_44 = arith.subi %sign3A_40, %sign3A_43 : i32
    %ne3A = arith.cmpi ne, %sign3A_37, %sign3A_44 : i32
    %rem3A = arith.remsi %select_n3A, %jit3A_31 : i32
    %ne3A_45 = arith.constant 0 : i32
    %ne3A_46 = arith.cmpi ne, %rem3A, %ne3A_45 : i32
    %and3A = arith.andi %ne3A, %ne3A_46 : i1
    %sub3A = arith.constant 1 : i32
    %sub3A_47 = arith.subi %div3A, %sub3A : i32
    %select_n3A_48 = arith.select %and3A, %sub3A_47, %div3A : i32
    %while3A = arith.constant 0 : i32
    %while3A_49 = arith.constant 0 : i32
    %while3A_50 = arith.subi %select_n3A_48, %while3A_49 : i32
    %while3A_51 = arith.addi %while3A_49, %while3A_50 : i32
    %while3A_52 = arith.constant 1 : i32
    %while3A_53 = arith.divsi %while3A_50, %while3A_52 : i32
    %while3A_54 = arith.muli %while3A_53, %while3A_52 : i32
    %while3A_55 = arith.addi %while3A_49, %while3A_54 : i32
    %while3A_56 = arith.constant 1 : i32
    scf.for %while3A_76 = %while3A_49 to %while3A_55 step %while3A_56  : i32 {
      %mul3A_77 = arith.constant 2 : i32
      %mul3A_78 = arith.muli %mul3A_77, %while3A_76 : i32
      %add3A_79 = arith.constant 0 : i32
      %add3A_80 = arith.addi %mul3A_78, %add3A_79 : i32
      %add3A_81 = arith.constant 1 : i32
      %add3A_82 = arith.addi %add3A_80, %add3A_81 : i32
      %lt3A = arith.cmpi slt, %add3A_82, %select_n3A : i32
      %convert_element_type3A = arith.extui %lt3A : i1 to i32
      %cond3A = arith.constant 0 : i32
      %cond3A_83 = arith.cmpi ne, %convert_element_type3A, %cond3A : i32
      scf.if %cond3A_83 {
        %ge3A = arith.constant 1 : i32
        %ge3A_156 = arith.cmpi sge, %add3A_80, %ge3A : i32
        %convert_element_type3A_157 = arith.extui %ge3A_156 : i1 to i32
        %cond3A_158 = arith.constant 0 : i32
        %cond3A_159 = arith.cmpi ne, %convert_element_type3A_157, %cond3A_158 : i32
        scf.if %cond3A_159 {
          %sub3A_179 = arith.constant 1 : i32
          %sub3A_180 = arith.subi %add3A_80, %sub3A_179 : i32
          %dma_wait3A_181 = arith.constant 0 : i32
          %dma_wait3A_182 = tpu.memref_slice %arg7[%sub3A_180, %dma_wait3A_181] : memref<32x320xi32, #tpu.memory_space<vmem>> -> memref<1x320xi32, #tpu.memory_space<vmem>>
          %dma_wait3A_183 = tpu.memref_squeeze %dma_wait3A_182 : memref<1x320xi32, #tpu.memory_space<vmem>> -> memref<320xi32, #tpu.memory_space<vmem>>
          %dma_wait3A_184 = arith.constant 0 : i32
          %dma_wait3A_185 = arith.constant 0 : i32
          %dma_wait3A_186 = tpu.memref_slice %arg16[%dma_wait3A_184, %dma_wait3A_185] : memref<10240x32xf32, #tpu.memory_space<vmem_shared>> -> memref<10240x32xf32, #tpu.memory_space<vmem_shared>>
          tpu.wait_indirect_dma semaphore(%arg24 : memref<!tpu.dma_semaphore, #tpu.memory_space<semaphore_mem>>) src(%arg10 : memref<320x32xf32, #tpu.memory_space<vmem>>) dst(%dma_wait3A_186 : memref<10240x32xf32, #tpu.memory_space<vmem_shared>>)
        } else {
        }
        %dma_start3A_160 = arith.constant 0 : i32
        %dma_start3A_161 = tpu.memref_slice %arg7[%add3A_82, %dma_start3A_160] : memref<32x320xi32, #tpu.memory_space<vmem>> -> memref<1x320xi32, #tpu.memory_space<vmem>>
        %dma_start3A_162 = tpu.memref_squeeze %dma_start3A_161 : memref<1x320xi32, #tpu.memory_space<vmem>> -> memref<320xi32, #tpu.memory_space<vmem>>
        %dma_start3A_163 = arith.constant 0 : i32
        %dma_start3A_164 = arith.constant 0 : i32
        %dma_start3A_165 = tpu.memref_slice %arg3[%dma_start3A_163, %dma_start3A_164] : memref<10240x32xf32, #tpu.memory_space<hbm>> -> memref<10240x32xf32, #tpu.memory_space<hbm>>
        tpu.enqueue_indirect_dma source(%dma_start3A_165 : memref<10240x32xf32, #tpu.memory_space<hbm>>) target(%arg10 : memref<320x32xf32, #tpu.memory_space<vmem>>) offsets(%dma_start3A_162 : memref<320xi32, #tpu.memory_space<vmem>>) semaphore(%arg18 : memref<!tpu.dma_semaphore, #tpu.memory_space<semaphore_mem>>)
        %dma_start3A_166 = arith.constant 0 : i32
        %dma_start3A_167 = tpu.memref_slice %arg8[%add3A_82, %dma_start3A_166] : memref<32x320xi32, #tpu.memory_space<vmem>> -> memref<1x320xi32, #tpu.memory_space<vmem>>
        %dma_start3A_168 = tpu.memref_squeeze %dma_start3A_167 : memref<1x320xi32, #tpu.memory_space<vmem>> -> memref<320xi32, #tpu.memory_space<vmem>>
        %dma_start3A_169 = arith.constant 0 : i32
        %dma_start3A_170 = arith.constant 0 : i32
        %dma_start3A_171 = tpu.memref_slice %arg4[%dma_start3A_169, %dma_start3A_170] : memref<10240x32xf32, #tpu.memory_space<hbm>> -> memref<10240x32xf32, #tpu.memory_space<hbm>>
        tpu.enqueue_indirect_dma source(%dma_start3A_171 : memref<10240x32xf32, #tpu.memory_space<hbm>>) target(%arg12 : memref<320x32xf32, #tpu.memory_space<vmem>>) offsets(%dma_start3A_168 : memref<320xi32, #tpu.memory_space<vmem>>) semaphore(%arg20 : memref<!tpu.dma_semaphore, #tpu.memory_space<semaphore_mem>>)
        %mul3A_172 = arith.constant 327680 : i32
        %mul3A_173 = arith.muli %add3A, %mul3A_172 : i32
        %mul3A_174 = arith.constant 10240 : i32
        %mul3A_175 = arith.muli %add3A_82, %mul3A_174 : i32
        %add3A_176 = arith.addi %mul3A_173, %mul3A_175 : i32
        %dma_start3A_177 = tpu.memref_slice %arg5[%add3A_176] : memref<10240000xf32, #tpu.memory_space<hbm>> -> memref<10240xf32, #tpu.memory_space<hbm>>
        %dma_start3A_178 = tpu.memref_slice %arg5[%add3A_176] : memref<10240000xf32, #tpu.memory_space<hbm>> -> memref<10240xf32, #tpu.memory_space<hbm>>
        tpu.enqueue_dma source(%dma_start3A_178 : memref<10240xf32, #tpu.memory_space<hbm>>) target(%arg14 : memref<10240xf32, #tpu.memory_space<vmem>>) target_semaphore(%arg22 : memref<!tpu.dma_semaphore, #tpu.memory_space<semaphore_mem>>)
      } else {
      }
      %dma_wait3A_84 = arith.constant 0 : i32
      %dma_wait3A_85 = tpu.memref_slice %arg7[%add3A_80, %dma_wait3A_84] : memref<32x320xi32, #tpu.memory_space<vmem>> -> memref<1x320xi32, #tpu.memory_space<vmem>>
      %dma_wait3A_86 = tpu.memref_squeeze %dma_wait3A_85 : memref<1x320xi32, #tpu.memory_space<vmem>> -> memref<320xi32, #tpu.memory_space<vmem>>
      %dma_wait3A_87 = arith.constant 0 : i32
      %dma_wait3A_88 = arith.constant 0 : i32
      %dma_wait3A_89 = tpu.memref_slice %arg3[%dma_wait3A_87, %dma_wait3A_88] : memref<10240x32xf32, #tpu.memory_space<hbm>> -> memref<10240x32xf32, #tpu.memory_space<hbm>>
      tpu.wait_indirect_dma semaphore(%arg17 : memref<!tpu.dma_semaphore, #tpu.memory_space<semaphore_mem>>) src(%dma_wait3A_89 : memref<10240x32xf32, #tpu.memory_space<hbm>>) dst(%arg9 : memref<320x32xf32, #tpu.memory_space<vmem>>)
      %dma_wait3A_90 = arith.constant 0 : i32
      %dma_wait3A_91 = tpu.memref_slice %arg8[%add3A_80, %dma_wait3A_90] : memref<32x320xi32, #tpu.memory_space<vmem>> -> memref<1x320xi32, #tpu.memory_space<vmem>>
      %dma_wait3A_92 = tpu.memref_squeeze %dma_wait3A_91 : memref<1x320xi32, #tpu.memory_space<vmem>> -> memref<320xi32, #tpu.memory_space<vmem>>
      %dma_wait3A_93 = arith.constant 0 : i32
      %dma_wait3A_94 = arith.constant 0 : i32
      %dma_wait3A_95 = tpu.memref_slice %arg4[%dma_wait3A_93, %dma_wait3A_94] : memref<10240x32xf32, #tpu.memory_space<hbm>> -> memref<10240x32xf32, #tpu.memory_space<hbm>>
      tpu.wait_indirect_dma semaphore(%arg19 : memref<!tpu.dma_semaphore, #tpu.memory_space<semaphore_mem>>) src(%dma_wait3A_95 : memref<10240x32xf32, #tpu.memory_space<hbm>>) dst(%arg11 : memref<320x32xf32, #tpu.memory_space<vmem>>)
      %mul3A_96 = arith.constant 327680 : i32
      %mul3A_97 = arith.muli %add3A, %mul3A_96 : i32
      %mul3A_98 = arith.constant 10240 : i32
      %mul3A_99 = arith.muli %add3A_80, %mul3A_98 : i32
      %add3A_100 = arith.addi %mul3A_97, %mul3A_99 : i32
      %dma_wait3A_101 = tpu.memref_slice %arg5[%add3A_100] : memref<10240000xf32, #tpu.memory_space<hbm>> -> memref<10240xf32, #tpu.memory_space<hbm>>
      %dma_wait3A_102 = tpu.memref_slice %arg5[%add3A_100] : memref<10240000xf32, #tpu.memory_space<hbm>> -> memref<10240xf32, #tpu.memory_space<hbm>>
      tpu.wait_dma2 semaphore(%arg21 : memref<!tpu.dma_semaphore, #tpu.memory_space<semaphore_mem>>) src(%dma_wait3A_102 : memref<10240xf32, #tpu.memory_space<hbm>>) dst(%arg13 : memref<10240xf32, #tpu.memory_space<vmem>>)
      %scan3A_103 = arith.constant 0 : i32
      %scan3A_104 = arith.constant 0 : i32
      %scan3A_105 = arith.constant 80 : i32
      %scan3A_106 = arith.addi %scan3A_104, %scan3A_105 : i32
      %scan3A_107 = arith.constant 1 : i32
      scf.for %scan3A_156 = %scan3A_104 to %scan3A_106 step %scan3A_107  : i32 {
        %add3A_157 = arith.constant 0 : i32
        %add3A_158 = arith.addi %add3A_157, %scan3A_156 : i32
        %get3A = arith.index_cast %add3A_158 : i32 to index
        %get3A_159 = arith.constant 0 : index
        %get3A_160 = tpu.vector_load %arg9[%get3A, %get3A_159] {strides = array<i32>} : memref<320x32xf32, #tpu.memory_space<vmem>>, vector<1x16xf32>,
        %get3A_161 = vector.shape_cast %get3A_160 : vector<1x16xf32> to vector<16xf32>
        %get3A_162 = arith.index_cast %add3A_158 : i32 to index
        %get3A_163 = arith.constant 0 : index
        %get3A_164 = tpu.vector_load %arg11[%get3A_162, %get3A_163] {strides = array<i32>} : memref<320x32xf32, #tpu.memory_space<vmem>>, vector<1x16xf32>,
        %get3A_165 = vector.shape_cast %get3A_164 : vector<1x16xf32> to vector<16xf32>
        %add3A_166 = arith.addf %get3A_161, %get3A_165 : vector<16xf32>
        %mul3A_167 = arith.constant 128 : i32
        %mul3A_168 = arith.muli %scan3A_156, %mul3A_167 : i32
        %add3A_169 = arith.constant 0 : i32
        %add3A_170 = arith.addi %mul3A_168, %add3A_169 : i32
        %add3A_171 = arith.constant 0 : i32
        %add3A_172 = arith.addi %add3A_170, %add3A_171 : i32
        %get3A_173 = arith.index_cast %add3A_172 : i32 to index
        %get3A_174 = tpu.vector_load %arg13[%get3A_173] {strides = array<i32>} : memref<10240xf32, #tpu.memory_space<vmem>>, vector<16xf32>,
        %get3A_175 = vector.shape_cast %get3A_174 : vector<16xf32> to vector<16xf32>
        %add3A_176 = arith.addf %add3A_166, %get3A_175 : vector<16xf32>
        %max3A = arith.constant 0.000000e+00 : f32
        %max3A_177 = vector.broadcast %max3A : f32 to vector<16xf32>
        %max3A_178 = arith.maximumf %add3A_176, %max3A_177 : vector<16xf32>
        %swap3A = arith.index_cast %add3A_158 : i32 to index
        %swap3A_179 = arith.constant 0 : index
        %swap3A_180 = tpu.vector_load %arg9[%swap3A, %swap3A_179] {strides = array<i32>} : memref<320x32xf32, #tpu.memory_space<vmem>>, vector<1x16xf32>,
        %swap3A_181 = vector.shape_cast %swap3A_180 : vector<1x16xf32> to vector<16xf32>
        %swap3A_182 = vector.shape_cast %max3A_178 : vector<16xf32> to vector<1x16xf32>
        tpu.vector_store %arg9[%swap3A, %swap3A_179], %swap3A_182 {strides = array<i32>} : memref<320x32xf32, #tpu.memory_space<vmem>>, vector<1x16xf32>,
        %add3A_183 = arith.constant 0 : i32
        %add3A_184 = arith.addi %add3A_183, %scan3A_156 : i32
        %get3A_185 = arith.index_cast %add3A_184 : i32 to index
        %get3A_186 = arith.constant 16 : index
        %get3A_187 = tpu.vector_load %arg9[%get3A_185, %get3A_186] {strides = array<i32>} : memref<320x32xf32, #tpu.memory_space<vmem>>, vector<1x16xf32>,
        %get3A_188 = vector.shape_cast %get3A_187 : vector<1x16xf32> to vector<16xf32>
        %get3A_189 = arith.index_cast %add3A_184 : i32 to index
        %get3A_190 = arith.constant 16 : index
        %get3A_191 = tpu.vector_load %arg11[%get3A_189, %get3A_190] {strides = array<i32>} : memref<320x32xf32, #tpu.memory_space<vmem>>, vector<1x16xf32>,
        %get3A_192 = vector.shape_cast %get3A_191 : vector<1x16xf32> to vector<16xf32>
        %add3A_193 = arith.addf %get3A_188, %get3A_192 : vector<16xf32>
        %mul3A_194 = arith.constant 128 : i32
        %mul3A_195 = arith.muli %scan3A_156, %mul3A_194 : i32
        %add3A_196 = arith.constant 0 : i32
        %add3A_197 = arith.addi %mul3A_195, %add3A_196 : i32
        %add3A_198 = arith.constant 16 : i32
        %add3A_199 = arith.addi %add3A_197, %add3A_198 : i32
        %get3A_200 = arith.index_cast %add3A_199 : i32 to index
        %get3A_201 = tpu.vector_load %arg13[%get3A_200] {strides = array<i32>} : memref<10240xf32, #tpu.memory_space<vmem>>, vector<16xf32>,
        %get3A_202 = vector.shape_cast %get3A_201 : vector<16xf32> to vector<16xf32>
        %add3A_203 = arith.addf %add3A_193, %get3A_202 : vector<16xf32>
        %max3A_204 = arith.constant 0.000000e+00 : f32
        %max3A_205 = vector.broadcast %max3A_204 : f32 to vector<16xf32>
        %max3A_206 = arith.maximumf %add3A_203, %max3A_205 : vector<16xf32>
        %swap3A_207 = arith.index_cast %add3A_184 : i32 to index
        %swap3A_208 = arith.constant 16 : index
        %swap3A_209 = tpu.vector_load %arg9[%swap3A_207, %swap3A_208] {strides = array<i32>} : memref<320x32xf32, #tpu.memory_space<vmem>>, vector<1x16xf32>,
        %swap3A_210 = vector.shape_cast %swap3A_209 : vector<1x16xf32> to vector<16xf32>
        %swap3A_211 = vector.shape_cast %max3A_206 : vector<16xf32> to vector<1x16xf32>
        tpu.vector_store %arg9[%swap3A_207, %swap3A_208], %swap3A_211 {strides = array<i32>} : memref<320x32xf32, #tpu.memory_space<vmem>>, vector<1x16xf32>,
        %add3A_212 = arith.constant 80 : i32
        %add3A_213 = arith.addi %add3A_212, %scan3A_156 : i32
        %get3A_214 = arith.index_cast %add3A_213 : i32 to index
        %get3A_215 = arith.constant 0 : index
        %get3A_216 = tpu.vector_load %arg9[%get3A_214, %get3A_215] {strides = array<i32>} : memref<320x32xf32, #tpu.memory_space<vmem>>, vector<1x16xf32>,
        %get3A_217 = vector.shape_cast %get3A_216 : vector<1x16xf32> to vector<16xf32>
        %get3A_218 = arith.index_cast %add3A_213 : i32 to index
        %get3A_219 = arith.constant 0 : index
        %get3A_220 = tpu.vector_load %arg11[%get3A_218, %get3A_219] {strides = array<i32>} : memref<320x32xf32, #tpu.memory_space<vmem>>, vector<1x16xf32>,
        %get3A_221 = vector.shape_cast %get3A_220 : vector<1x16xf32> to vector<16xf32>
        %add3A_222 = arith.addf %get3A_217, %get3A_221 : vector<16xf32>
        %mul3A_223 = arith.constant 128 : i32
        %mul3A_224 = arith.muli %scan3A_156, %mul3A_223 : i32
        %add3A_225 = arith.constant 32 : i32
        %add3A_226 = arith.addi %mul3A_224, %add3A_225 : i32
        %add3A_227 = arith.constant 0 : i32
        %add3A_228 = arith.addi %add3A_226, %add3A_227 : i32
        %get3A_229 = arith.index_cast %add3A_228 : i32 to index
        %get3A_230 = tpu.vector_load %arg13[%get3A_229] {strides = array<i32>} : memref<10240xf32, #tpu.memory_space<vmem>>, vector<16xf32>,
        %get3A_231 = vector.shape_cast %get3A_230 : vector<16xf32> to vector<16xf32>
        %add3A_232 = arith.addf %add3A_222, %get3A_231 : vector<16xf32>
        %max3A_233 = arith.constant 0.000000e+00 : f32
        %max3A_234 = vector.broadcast %max3A_233 : f32 to vector<16xf32>
        %max3A_235 = arith.maximumf %add3A_232, %max3A_234 : vector<16xf32>
        %swap3A_236 = arith.index_cast %add3A_213 : i32 to index
        %swap3A_237 = arith.constant 0 : index
        %swap3A_238 = tpu.vector_load %arg9[%swap3A_236, %swap3A_237] {strides = array<i32>} : memref<320x32xf32, #tpu.memory_space<vmem>>, vector<1x16xf32>,
        %swap3A_239 = vector.shape_cast %swap3A_238 : vector<1x16xf32> to vector<16xf32>
        %swap3A_240 = vector.shape_cast %max3A_235 : vector<16xf32> to vector<1x16xf32>
        tpu.vector_store %arg9[%swap3A_236, %swap3A_237], %swap3A_240 {strides = array<i32>} : memref<320x32xf32, #tpu.memory_space<vmem>>, vector<1x16xf32>,
        %add3A_241 = arith.constant 80 : i32
        %add3A_242 = arith.addi %add3A_241, %scan3A_156 : i32
        %get3A_243 = arith.index_cast %add3A_242 : i32 to index
        %get3A_244 = arith.constant 16 : index
        %get3A_245 = tpu.vector_load %arg9[%get3A_243, %get3A_244] {strides = array<i32>} : memref<320x32xf32, #tpu.memory_space<vmem>>, vector<1x16xf32>,
        %get3A_246 = vector.shape_cast %get3A_245 : vector<1x16xf32> to vector<16xf32>
        %get3A_247 = arith.index_cast %add3A_242 : i32 to index
        %get3A_248 = arith.constant 16 : index
        %get3A_249 = tpu.vector_load %arg11[%get3A_247, %get3A_248] {strides = array<i32>} : memref<320x32xf32, #tpu.memory_space<vmem>>, vector<1x16xf32>,
        %get3A_250 = vector.shape_cast %get3A_249 : vector<1x16xf32> to vector<16xf32>
        %add3A_251 = arith.addf %get3A_246, %get3A_250 : vector<16xf32>
        %mul3A_252 = arith.constant 128 : i32
        %mul3A_253 = arith.muli %scan3A_156, %mul3A_252 : i32
        %add3A_254 = arith.constant 32 : i32
        %add3A_255 = arith.addi %mul3A_253, %add3A_254 : i32
        %add3A_256 = arith.constant 16 : i32
        %add3A_257 = arith.addi %add3A_255, %add3A_256 : i32
        %get3A_258 = arith.index_cast %add3A_257 : i32 to index
        %get3A_259 = tpu.vector_load %arg13[%get3A_258] {strides = array<i32>} : memref<10240xf32, #tpu.memory_space<vmem>>, vector<16xf32>,
        %get3A_260 = vector.shape_cast %get3A_259 : vector<16xf32> to vector<16xf32>
        %add3A_261 = arith.addf %add3A_251, %get3A_260 : vector<16xf32>
        %max3A_262 = arith.constant 0.000000e+00 : f32
        %max3A_263 = vector.broadcast %max3A_262 : f32 to vector<16xf32>
        %max3A_264 = arith.maximumf %add3A_261, %max3A_263 : vector<16xf32>
        %swap3A_265 = arith.index_cast %add3A_242 : i32 to index
        %swap3A_266 = arith.constant 16 : index
        %swap3A_267 = tpu.vector_load %arg9[%swap3A_265, %swap3A_266] {strides = array<i32>} : memref<320x32xf32, #tpu.memory_space<vmem>>, vector<1x16xf32>,
        %swap3A_268 = vector.shape_cast %swap3A_267 : vector<1x16xf32> to vector<16xf32>
        %swap3A_269 = vector.shape_cast %max3A_264 : vector<16xf32> to vector<1x16xf32>
        tpu.vector_store %arg9[%swap3A_265, %swap3A_266], %swap3A_269 {strides = array<i32>} : memref<320x32xf32, #tpu.memory_space<vmem>>, vector<1x16xf32>,
        %add3A_270 = arith.constant 160 : i32
        %add3A_271 = arith.addi %add3A_270, %scan3A_156 : i32
        %get3A_272 = arith.index_cast %add3A_271 : i32 to index
        %get3A_273 = arith.constant 0 : index
        %get3A_274 = tpu.vector_load %arg9[%get3A_272, %get3A_273] {strides = array<i32>} : memref<320x32xf32, #tpu.memory_space<vmem>>, vector<1x16xf32>,
        %get3A_275 = vector.shape_cast %get3A_274 : vector<1x16xf32> to vector<16xf32>
        %get3A_276 = arith.index_cast %add3A_271 : i32 to index
        %get3A_277 = arith.constant 0 : index
        %get3A_278 = tpu.vector_load %arg11[%get3A_276, %get3A_277] {strides = array<i32>} : memref<320x32xf32, #tpu.memory_space<vmem>>, vector<1x16xf32>,
        %get3A_279 = vector.shape_cast %get3A_278 : vector<1x16xf32> to vector<16xf32>
        %add3A_280 = arith.addf %get3A_275, %get3A_279 : vector<16xf32>
        %mul3A_281 = arith.constant 128 : i32
        %mul3A_282 = arith.muli %scan3A_156, %mul3A_281 : i32
        %add3A_283 = arith.constant 64 : i32
        %add3A_284 = arith.addi %mul3A_282, %add3A_283 : i32
        %add3A_285 = arith.constant 0 : i32
        %add3A_286 = arith.addi %add3A_284, %add3A_285 : i32
        %get3A_287 = arith.index_cast %add3A_286 : i32 to index
        %get3A_288 = tpu.vector_load %arg13[%get3A_287] {strides = array<i32>} : memref<10240xf32, #tpu.memory_space<vmem>>, vector<16xf32>,
        %get3A_289 = vector.shape_cast %get3A_288 : vector<16xf32> to vector<16xf32>
        %add3A_290 = arith.addf %add3A_280, %get3A_289 : vector<16xf32>
        %max3A_291 = arith.constant 0.000000e+00 : f32
        %max3A_292 = vector.broadcast %max3A_291 : f32 to vector<16xf32>
        %max3A_293 = arith.maximumf %add3A_290, %max3A_292 : vector<16xf32>
        %swap3A_294 = arith.index_cast %add3A_271 : i32 to index
        %swap3A_295 = arith.constant 0 : index
        %swap3A_296 = tpu.vector_load %arg9[%swap3A_294, %swap3A_295] {strides = array<i32>} : memref<320x32xf32, #tpu.memory_space<vmem>>, vector<1x16xf32>,
        %swap3A_297 = vector.shape_cast %swap3A_296 : vector<1x16xf32> to vector<16xf32>
        %swap3A_298 = vector.shape_cast %max3A_293 : vector<16xf32> to vector<1x16xf32>
        tpu.vector_store %arg9[%swap3A_294, %swap3A_295], %swap3A_298 {strides = array<i32>} : memref<320x32xf32, #tpu.memory_space<vmem>>, vector<1x16xf32>,
        %add3A_299 = arith.constant 160 : i32
        %add3A_300 = arith.addi %add3A_299, %scan3A_156 : i32
        %get3A_301 = arith.index_cast %add3A_300 : i32 to index
        %get3A_302 = arith.constant 16 : index
        %get3A_303 = tpu.vector_load %arg9[%get3A_301, %get3A_302] {strides = array<i32>} : memref<320x32xf32, #tpu.memory_space<vmem>>, vector<1x16xf32>,
        %get3A_304 = vector.shape_cast %get3A_303 : vector<1x16xf32> to vector<16xf32>
        %get3A_305 = arith.index_cast %add3A_300 : i32 to index
        %get3A_306 = arith.constant 16 : index
        %get3A_307 = tpu.vector_load %arg11[%get3A_305, %get3A_306] {strides = array<i32>} : memref<320x32xf32, #tpu.memory_space<vmem>>, vector<1x16xf32>,
        %get3A_308 = vector.shape_cast %get3A_307 : vector<1x16xf32> to vector<16xf32>
        %add3A_309 = arith.addf %get3A_304, %get3A_308 : vector<16xf32>
        %mul3A_310 = arith.constant 128 : i32
        %mul3A_311 = arith.muli %scan3A_156, %mul3A_310 : i32
        %add3A_312 = arith.constant 64 : i32
        %add3A_313 = arith.addi %mul3A_311, %add3A_312 : i32
        %add3A_314 = arith.constant 16 : i32
        %add3A_315 = arith.addi %add3A_313, %add3A_314 : i32
        %get3A_316 = arith.index_cast %add3A_315 : i32 to index
        %get3A_317 = tpu.vector_load %arg13[%get3A_316] {strides = array<i32>} : memref<10240xf32, #tpu.memory_space<vmem>>, vector<16xf32>,
        %get3A_318 = vector.shape_cast %get3A_317 : vector<16xf32> to vector<16xf32>
        %add3A_319 = arith.addf %add3A_309, %get3A_318 : vector<16xf32>
        %max3A_320 = arith.constant 0.000000e+00 : f32
        %max3A_321 = vector.broadcast %max3A_320 : f32 to vector<16xf32>
        %max3A_322 = arith.maximumf %add3A_319, %max3A_321 : vector<16xf32>
        %swap3A_323 = arith.index_cast %add3A_300 : i32 to index
        %swap3A_324 = arith.constant 16 : index
        %swap3A_325 = tpu.vector_load %arg9[%swap3A_323, %swap3A_324] {strides = array<i32>} : memref<320x32xf32, #tpu.memory_space<vmem>>, vector<1x16xf32>,
        %swap3A_326 = vector.shape_cast %swap3A_325 : vector<1x16xf32> to vector<16xf32>
        %swap3A_327 = vector.shape_cast %max3A_322 : vector<16xf32> to vector<1x16xf32>
        tpu.vector_store %arg9[%swap3A_323, %swap3A_324], %swap3A_327 {strides = array<i32>} : memref<320x32xf32, #tpu.memory_space<vmem>>, vector<1x16xf32>,
        %add3A_328 = arith.constant 240 : i32
        %add3A_329 = arith.addi %add3A_328, %scan3A_156 : i32
        %get3A_330 = arith.index_cast %add3A_329 : i32 to index
        %get3A_331 = arith.constant 0 : index
        %get3A_332 = tpu.vector_load %arg9[%get3A_330, %get3A_331] {strides = array<i32>} : memref<320x32xf32, #tpu.memory_space<vmem>>, vector<1x16xf32>,
        %get3A_333 = vector.shape_cast %get3A_332 : vector<1x16xf32> to vector<16xf32>
        %get3A_334 = arith.index_cast %add3A_329 : i32 to index
        %get3A_335 = arith.constant 0 : index
        %get3A_336 = tpu.vector_load %arg11[%get3A_334, %get3A_335] {strides = array<i32>} : memref<320x32xf32, #tpu.memory_space<vmem>>, vector<1x16xf32>,
        %get3A_337 = vector.shape_cast %get3A_336 : vector<1x16xf32> to vector<16xf32>
        %add3A_338 = arith.addf %get3A_333, %get3A_337 : vector<16xf32>
        %mul3A_339 = arith.constant 128 : i32
        %mul3A_340 = arith.muli %scan3A_156, %mul3A_339 : i32
        %add3A_341 = arith.constant 96 : i32
        %add3A_342 = arith.addi %mul3A_340, %add3A_341 : i32
        %add3A_343 = arith.constant 0 : i32
        %add3A_344 = arith.addi %add3A_342, %add3A_343 : i32
        %get3A_345 = arith.index_cast %add3A_344 : i32 to index
        %get3A_346 = tpu.vector_load %arg13[%get3A_345] {strides = array<i32>} : memref<10240xf32, #tpu.memory_space<vmem>>, vector<16xf32>,
        %get3A_347 = vector.shape_cast %get3A_346 : vector<16xf32> to vector<16xf32>
        %add3A_348 = arith.addf %add3A_338, %get3A_347 : vector<16xf32>
        %max3A_349 = arith.constant 0.000000e+00 : f32
        %max3A_350 = vector.broadcast %max3A_349 : f32 to vector<16xf32>
        %max3A_351 = arith.maximumf %add3A_348, %max3A_350 : vector<16xf32>
        %swap3A_352 = arith.index_cast %add3A_329 : i32 to index
        %swap3A_353 = arith.constant 0 : index
        %swap3A_354 = tpu.vector_load %arg9[%swap3A_352, %swap3A_353] {strides = array<i32>} : memref<320x32xf32, #tpu.memory_space<vmem>>, vector<1x16xf32>,
        %swap3A_355 = vector.shape_cast %swap3A_354 : vector<1x16xf32> to vector<16xf32>
        %swap3A_356 = vector.shape_cast %max3A_351 : vector<16xf32> to vector<1x16xf32>
        tpu.vector_store %arg9[%swap3A_352, %swap3A_353], %swap3A_356 {strides = array<i32>} : memref<320x32xf32, #tpu.memory_space<vmem>>, vector<1x16xf32>,
        %add3A_357 = arith.constant 240 : i32
        %add3A_358 = arith.addi %add3A_357, %scan3A_156 : i32
        %get3A_359 = arith.index_cast %add3A_358 : i32 to index
        %get3A_360 = arith.constant 16 : index
        %get3A_361 = tpu.vector_load %arg9[%get3A_359, %get3A_360] {strides = array<i32>} : memref<320x32xf32, #tpu.memory_space<vmem>>, vector<1x16xf32>,
        %get3A_362 = vector.shape_cast %get3A_361 : vector<1x16xf32> to vector<16xf32>
        %get3A_363 = arith.index_cast %add3A_358 : i32 to index
        %get3A_364 = arith.constant 16 : index
        %get3A_365 = tpu.vector_load %arg11[%get3A_363, %get3A_364] {strides = array<i32>} : memref<320x32xf32, #tpu.memory_space<vmem>>, vector<1x16xf32>,
        %get3A_366 = vector.shape_cast %get3A_365 : vector<1x16xf32> to vector<16xf32>
        %add3A_367 = arith.addf %get3A_362, %get3A_366 : vector<16xf32>
        %mul3A_368 = arith.constant 128 : i32
        %mul3A_369 = arith.muli %scan3A_156, %mul3A_368 : i32
        %add3A_370 = arith.constant 96 : i32
        %add3A_371 = arith.addi %mul3A_369, %add3A_370 : i32
        %add3A_372 = arith.constant 16 : i32
        %add3A_373 = arith.addi %add3A_371, %add3A_372 : i32
        %get3A_374 = arith.index_cast %add3A_373 : i32 to index
        %get3A_375 = tpu.vector_load %arg13[%get3A_374] {strides = array<i32>} : memref<10240xf32, #tpu.memory_space<vmem>>, vector<16xf32>,
        %get3A_376 = vector.shape_cast %get3A_375 : vector<16xf32> to vector<16xf32>
        %add3A_377 = arith.addf %add3A_367, %get3A_376 : vector<16xf32>
        %max3A_378 = arith.constant 0.000000e+00 : f32
        %max3A_379 = vector.broadcast %max3A_378 : f32 to vector<16xf32>
        %max3A_380 = arith.maximumf %add3A_377, %max3A_379 : vector<16xf32>
        %swap3A_381 = arith.index_cast %add3A_358 : i32 to index
        %swap3A_382 = arith.constant 16 : index
        %swap3A_383 = tpu.vector_load %arg9[%swap3A_381, %swap3A_382] {strides = array<i32>} : memref<320x32xf32, #tpu.memory_space<vmem>>, vector<1x16xf32>,
        %swap3A_384 = vector.shape_cast %swap3A_383 : vector<1x16xf32> to vector<16xf32>
        %swap3A_385 = vector.shape_cast %max3A_380 : vector<16xf32> to vector<1x16xf32>
        tpu.vector_store %arg9[%swap3A_381, %swap3A_382], %swap3A_385 {strides = array<i32>} : memref<320x32xf32, #tpu.memory_space<vmem>>, vector<1x16xf32>,
      }
      %scan3A_108 = arith.constant 80 : i32
      %dma_start3A_109 = arith.constant 0 : i32
      %dma_start3A_110 = tpu.memref_slice %arg7[%add3A_80, %dma_start3A_109] : memref<32x320xi32, #tpu.memory_space<vmem>> -> memref<1x320xi32, #tpu.memory_space<vmem>>
      %dma_start3A_111 = tpu.memref_squeeze %dma_start3A_110 : memref<1x320xi32, #tpu.memory_space<vmem>> -> memref<320xi32, #tpu.memory_space<vmem>>
      %dma_start3A_112 = arith.constant 0 : i32
      %dma_start3A_113 = arith.constant 0 : i32
      %dma_start3A_114 = tpu.memref_slice %arg16[%dma_start3A_112, %dma_start3A_113] : memref<10240x32xf32, #tpu.memory_space<vmem_shared>> -> memref<10240x32xf32, #tpu.memory_space<vmem_shared>>
      tpu.enqueue_indirect_dma source(%arg9 : memref<320x32xf32, #tpu.memory_space<vmem>>) target(%dma_start3A_114 : memref<10240x32xf32, #tpu.memory_space<vmem_shared>>) offsets(%dma_start3A_111 : memref<320xi32, #tpu.memory_space<vmem>>) semaphore(%arg23 : memref<!tpu.dma_semaphore, #tpu.memory_space<semaphore_mem>>) {add = true}
      %mul3A_115 = arith.constant 2 : i32
      %mul3A_116 = arith.muli %mul3A_115, %while3A_76 : i32
      %add3A_117 = arith.constant 1 : i32
      %add3A_118 = arith.addi %mul3A_116, %add3A_117 : i32
      %add3A_119 = arith.constant 1 : i32
      %add3A_120 = arith.addi %add3A_118, %add3A_119 : i32
      %lt3A_121 = arith.cmpi slt, %add3A_120, %select_n3A : i32
      %convert_element_type3A_122 = arith.extui %lt3A_121 : i1 to i32
      %cond3A_123 = arith.constant 0 : i32
      %cond3A_124 = arith.cmpi ne, %convert_element_type3A_122, %cond3A_123 : i32
      scf.if %cond3A_124 {
        %ge3A = arith.constant 1 : i32
        %ge3A_156 = arith.cmpi sge, %add3A_118, %ge3A : i32
        %convert_element_type3A_157 = arith.extui %ge3A_156 : i1 to i32
        %cond3A_158 = arith.constant 0 : i32
        %cond3A_159 = arith.cmpi ne, %convert_element_type3A_157, %cond3A_158 : i32
        scf.if %cond3A_159 {
          %sub3A_179 = arith.constant 1 : i32
          %sub3A_180 = arith.subi %add3A_118, %sub3A_179 : i32
          %dma_wait3A_181 = arith.constant 0 : i32
          %dma_wait3A_182 = tpu.memref_slice %arg7[%sub3A_180, %dma_wait3A_181] : memref<32x320xi32, #tpu.memory_space<vmem>> -> memref<1x320xi32, #tpu.memory_space<vmem>>
          %dma_wait3A_183 = tpu.memref_squeeze %dma_wait3A_182 : memref<1x320xi32, #tpu.memory_space<vmem>> -> memref<320xi32, #tpu.memory_space<vmem>>
          %dma_wait3A_184 = arith.constant 0 : i32
          %dma_wait3A_185 = arith.constant 0 : i32
          %dma_wait3A_186 = tpu.memref_slice %arg16[%dma_wait3A_184, %dma_wait3A_185] : memref<10240x32xf32, #tpu.memory_space<vmem_shared>> -> memref<10240x32xf32, #tpu.memory_space<vmem_shared>>
          tpu.wait_indirect_dma semaphore(%arg23 : memref<!tpu.dma_semaphore, #tpu.memory_space<semaphore_mem>>) src(%arg9 : memref<320x32xf32, #tpu.memory_space<vmem>>) dst(%dma_wait3A_186 : memref<10240x32xf32, #tpu.memory_space<vmem_shared>>)
        } else {
        }
        %dma_start3A_160 = arith.constant 0 : i32
        %dma_start3A_161 = tpu.memref_slice %arg7[%add3A_120, %dma_start3A_160] : memref<32x320xi32, #tpu.memory_space<vmem>> -> memref<1x320xi32, #tpu.memory_space<vmem>>
        %dma_start3A_162 = tpu.memref_squeeze %dma_start3A_161 : memref<1x320xi32, #tpu.memory_space<vmem>> -> memref<320xi32, #tpu.memory_space<vmem>>
        %dma_start3A_163 = arith.constant 0 : i32
        %dma_start3A_164 = arith.constant 0 : i32
        %dma_start3A_165 = tpu.memref_slice %arg3[%dma_start3A_163, %dma_start3A_164] : memref<10240x32xf32, #tpu.memory_space<hbm>> -> memref<10240x32xf32, #tpu.memory_space<hbm>>
        tpu.enqueue_indirect_dma source(%dma_start3A_165 : memref<10240x32xf32, #tpu.memory_space<hbm>>) target(%arg9 : memref<320x32xf32, #tpu.memory_space<vmem>>) offsets(%dma_start3A_162 : memref<320xi32, #tpu.memory_space<vmem>>) semaphore(%arg17 : memref<!tpu.dma_semaphore, #tpu.memory_space<semaphore_mem>>)
        %dma_start3A_166 = arith.constant 0 : i32
        %dma_start3A_167 = tpu.memref_slice %arg8[%add3A_120, %dma_start3A_166] : memref<32x320xi32, #tpu.memory_space<vmem>> -> memref<1x320xi32, #tpu.memory_space<vmem>>
        %dma_start3A_168 = tpu.memref_squeeze %dma_start3A_167 : memref<1x320xi32, #tpu.memory_space<vmem>> -> memref<320xi32, #tpu.memory_space<vmem>>
        %dma_start3A_169 = arith.constant 0 : i32
        %dma_start3A_170 = arith.constant 0 : i32
        %dma_start3A_171 = tpu.memref_slice %arg4[%dma_start3A_169, %dma_start3A_170] : memref<10240x32xf32, #tpu.memory_space<hbm>> -> memref<10240x32xf32, #tpu.memory_space<hbm>>
        tpu.enqueue_indirect_dma source(%dma_start3A_171 : memref<10240x32xf32, #tpu.memory_space<hbm>>) target(%arg11 : memref<320x32xf32, #tpu.memory_space<vmem>>) offsets(%dma_start3A_168 : memref<320xi32, #tpu.memory_space<vmem>>) semaphore(%arg19 : memref<!tpu.dma_semaphore, #tpu.memory_space<semaphore_mem>>)
        %mul3A_172 = arith.constant 327680 : i32
        %mul3A_173 = arith.muli %add3A, %mul3A_172 : i32
        %mul3A_174 = arith.constant 10240 : i32
        %mul3A_175 = arith.muli %add3A_120, %mul3A_174 : i32
        %add3A_176 = arith.addi %mul3A_173, %mul3A_175 : i32
        %dma_start3A_177 = tpu.memref_slice %arg5[%add3A_176] : memref<10240000xf32, #tpu.memory_space<hbm>> -> memref<10240xf32, #tpu.memory_space<hbm>>
        %dma_start3A_178 = tpu.memref_slice %arg5[%add3A_176] : memref<10240000xf32, #tpu.memory_space<hbm>> -> memref<10240xf32, #tpu.memory_space<hbm>>
        tpu.enqueue_dma source(%dma_start3A_178 : memref<10240xf32, #tpu.memory_space<hbm>>) target(%arg13 : memref<10240xf32, #tpu.memory_space<vmem>>) target_semaphore(%arg21 : memref<!tpu.dma_semaphore, #tpu.memory_space<semaphore_mem>>)
      } else {
      }
      %dma_wait3A_125 = arith.constant 0 : i32
      %dma_wait3A_126 = tpu.memref_slice %arg7[%add3A_118, %dma_wait3A_125] : memref<32x320xi32, #tpu.memory_space<vmem>> -> memref<1x320xi32, #tpu.memory_space<vmem>>
      %dma_wait3A_127 = tpu.memref_squeeze %dma_wait3A_126 : memref<1x320xi32, #tpu.memory_space<vmem>> -> memref<320xi32, #tpu.memory_space<vmem>>
      %dma_wait3A_128 = arith.constant 0 : i32
      %dma_wait3A_129 = arith.constant 0 : i32
      %dma_wait3A_130 = tpu.memref_slice %arg3[%dma_wait3A_128, %dma_wait3A_129] : memref<10240x32xf32, #tpu.memory_space<hbm>> -> memref<10240x32xf32, #tpu.memory_space<hbm>>
      tpu.wait_indirect_dma semaphore(%arg18 : memref<!tpu.dma_semaphore, #tpu.memory_space<semaphore_mem>>) src(%dma_wait3A_130 : memref<10240x32xf32, #tpu.memory_space<hbm>>) dst(%arg10 : memref<320x32xf32, #tpu.memory_space<vmem>>)
      %dma_wait3A_131 = arith.constant 0 : i32
      %dma_wait3A_132 = tpu.memref_slice %arg8[%add3A_118, %dma_wait3A_131] : memref<32x320xi32, #tpu.memory_space<vmem>> -> memref<1x320xi32, #tpu.memory_space<vmem>>
      %dma_wait3A_133 = tpu.memref_squeeze %dma_wait3A_132 : memref<1x320xi32, #tpu.memory_space<vmem>> -> memref<320xi32, #tpu.memory_space<vmem>>
      %dma_wait3A_134 = arith.constant 0 : i32
      %dma_wait3A_135 = arith.constant 0 : i32
      %dma_wait3A_136 = tpu.memref_slice %arg4[%dma_wait3A_134, %dma_wait3A_135] : memref<10240x32xf32, #tpu.memory_space<hbm>> -> memref<10240x32xf32, #tpu.memory_space<hbm>>
      tpu.wait_indirect_dma semaphore(%arg20 : memref<!tpu.dma_semaphore, #tpu.memory_space<semaphore_mem>>) src(%dma_wait3A_136 : memref<10240x32xf32, #tpu.memory_space<hbm>>) dst(%arg12 : memref<320x32xf32, #tpu.memory_space<vmem>>)
      %mul3A_137 = arith.constant 327680 : i32
      %mul3A_138 = arith.muli %add3A, %mul3A_137 : i32
      %mul3A_139 = arith.constant 10240 : i32
      %mul3A_140 = arith.muli %add3A_118, %mul3A_139 : i32
      %add3A_141 = arith.addi %mul3A_138, %mul3A_140 : i32
      %dma_wait3A_142 = tpu.memref_slice %arg5[%add3A_141] : memref<10240000xf32, #tpu.memory_space<hbm>> -> memref<10240xf32, #tpu.memory_space<hbm>>
      %dma_wait3A_143 = tpu.memref_slice %arg5[%add3A_141] : memref<10240000xf32, #tpu.memory_space<hbm>> -> memref<10240xf32, #tpu.memory_space<hbm>>
      tpu.wait_dma2 semaphore(%arg22 : memref<!tpu.dma_semaphore, #tpu.memory_space<semaphore_mem>>) src(%dma_wait3A_143 : memref<10240xf32, #tpu.memory_space<hbm>>) dst(%arg14 : memref<10240xf32, #tpu.memory_space<vmem>>)
      %scan3A_144 = arith.constant 0 : i32
      %scan3A_145 = arith.constant 0 : i32
      %scan3A_146 = arith.constant 80 : i32
      %scan3A_147 = arith.addi %scan3A_145, %scan3A_146 : i32
      %scan3A_148 = arith.constant 1 : i32
      scf.for %scan3A_156 = %scan3A_145 to %scan3A_147 step %scan3A_148  : i32 {
        %add3A_157 = arith.constant 0 : i32
        %add3A_158 = arith.addi %add3A_157, %scan3A_156 : i32
        %get3A = arith.index_cast %add3A_158 : i32 to index
        %get3A_159 = arith.constant 0 : index
        %get3A_160 = tpu.vector_load %arg10[%get3A, %get3A_159] {strides = array<i32>} : memref<320x32xf32, #tpu.memory_space<vmem>>, vector<1x16xf32>,
        %get3A_161 = vector.shape_cast %get3A_160 : vector<1x16xf32> to vector<16xf32>
        %get3A_162 = arith.index_cast %add3A_158 : i32 to index
        %get3A_163 = arith.constant 0 : index
        %get3A_164 = tpu.vector_load %arg12[%get3A_162, %get3A_163] {strides = array<i32>} : memref<320x32xf32, #tpu.memory_space<vmem>>, vector<1x16xf32>,
        %get3A_165 = vector.shape_cast %get3A_164 : vector<1x16xf32> to vector<16xf32>
        %add3A_166 = arith.addf %get3A_161, %get3A_165 : vector<16xf32>
        %mul3A_167 = arith.constant 128 : i32
        %mul3A_168 = arith.muli %scan3A_156, %mul3A_167 : i32
        %add3A_169 = arith.constant 0 : i32
        %add3A_170 = arith.addi %mul3A_168, %add3A_169 : i32
        %add3A_171 = arith.constant 0 : i32
        %add3A_172 = arith.addi %add3A_170, %add3A_171 : i32
        %get3A_173 = arith.index_cast %add3A_172 : i32 to index
        %get3A_174 = tpu.vector_load %arg14[%get3A_173] {strides = array<i32>} : memref<10240xf32, #tpu.memory_space<vmem>>, vector<16xf32>,
        %get3A_175 = vector.shape_cast %get3A_174 : vector<16xf32> to vector<16xf32>
        %add3A_176 = arith.addf %add3A_166, %get3A_175 : vector<16xf32>
        %max3A = arith.constant 0.000000e+00 : f32
        %max3A_177 = vector.broadcast %max3A : f32 to vector<16xf32>
        %max3A_178 = arith.maximumf %add3A_176, %max3A_177 : vector<16xf32>
        %swap3A = arith.index_cast %add3A_158 : i32 to index
        %swap3A_179 = arith.constant 0 : index
        %swap3A_180 = tpu.vector_load %arg10[%swap3A, %swap3A_179] {strides = array<i32>} : memref<320x32xf32, #tpu.memory_space<vmem>>, vector<1x16xf32>,
        %swap3A_181 = vector.shape_cast %swap3A_180 : vector<1x16xf32> to vector<16xf32>
        %swap3A_182 = vector.shape_cast %max3A_178 : vector<16xf32> to vector<1x16xf32>
        tpu.vector_store %arg10[%swap3A, %swap3A_179], %swap3A_182 {strides = array<i32>} : memref<320x32xf32, #tpu.memory_space<vmem>>, vector<1x16xf32>,
        %add3A_183 = arith.constant 0 : i32
        %add3A_184 = arith.addi %add3A_183, %scan3A_156 : i32
        %get3A_185 = arith.index_cast %add3A_184 : i32 to index
        %get3A_186 = arith.constant 16 : index
        %get3A_187 = tpu.vector_load %arg10[%get3A_185, %get3A_186] {strides = array<i32>} : memref<320x32xf32, #tpu.memory_space<vmem>>, vector<1x16xf32>,
        %get3A_188 = vector.shape_cast %get3A_187 : vector<1x16xf32> to vector<16xf32>
        %get3A_189 = arith.index_cast %add3A_184 : i32 to index
        %get3A_190 = arith.constant 16 : index
        %get3A_191 = tpu.vector_load %arg12[%get3A_189, %get3A_190] {strides = array<i32>} : memref<320x32xf32, #tpu.memory_space<vmem>>, vector<1x16xf32>,
        %get3A_192 = vector.shape_cast %get3A_191 : vector<1x16xf32> to vector<16xf32>
        %add3A_193 = arith.addf %get3A_188, %get3A_192 : vector<16xf32>
        %mul3A_194 = arith.constant 128 : i32
        %mul3A_195 = arith.muli %scan3A_156, %mul3A_194 : i32
        %add3A_196 = arith.constant 0 : i32
        %add3A_197 = arith.addi %mul3A_195, %add3A_196 : i32
        %add3A_198 = arith.constant 16 : i32
        %add3A_199 = arith.addi %add3A_197, %add3A_198 : i32
        %get3A_200 = arith.index_cast %add3A_199 : i32 to index
        %get3A_201 = tpu.vector_load %arg14[%get3A_200] {strides = array<i32>} : memref<10240xf32, #tpu.memory_space<vmem>>, vector<16xf32>,
        %get3A_202 = vector.shape_cast %get3A_201 : vector<16xf32> to vector<16xf32>
        %add3A_203 = arith.addf %add3A_193, %get3A_202 : vector<16xf32>
        %max3A_204 = arith.constant 0.000000e+00 : f32
        %max3A_205 = vector.broadcast %max3A_204 : f32 to vector<16xf32>
        %max3A_206 = arith.maximumf %add3A_203, %max3A_205 : vector<16xf32>
        %swap3A_207 = arith.index_cast %add3A_184 : i32 to index
        %swap3A_208 = arith.constant 16 : index
        %swap3A_209 = tpu.vector_load %arg10[%swap3A_207, %swap3A_208] {strides = array<i32>} : memref<320x32xf32, #tpu.memory_space<vmem>>, vector<1x16xf32>,
        %swap3A_210 = vector.shape_cast %swap3A_209 : vector<1x16xf32> to vector<16xf32>
        %swap3A_211 = vector.shape_cast %max3A_206 : vector<16xf32> to vector<1x16xf32>
        tpu.vector_store %arg10[%swap3A_207, %swap3A_208], %swap3A_211 {strides = array<i32>} : memref<320x32xf32, #tpu.memory_space<vmem>>, vector<1x16xf32>,
        %add3A_212 = arith.constant 80 : i32
        %add3A_213 = arith.addi %add3A_212, %scan3A_156 : i32
        %get3A_214 = arith.index_cast %add3A_213 : i32 to index
        %get3A_215 = arith.constant 0 : index
        %get3A_216 = tpu.vector_load %arg10[%get3A_214, %get3A_215] {strides = array<i32>} : memref<320x32xf32, #tpu.memory_space<vmem>>, vector<1x16xf32>,
        %get3A_217 = vector.shape_cast %get3A_216 : vector<1x16xf32> to vector<16xf32>
        %get3A_218 = arith.index_cast %add3A_213 : i32 to index
        %get3A_219 = arith.constant 0 : index
        %get3A_220 = tpu.vector_load %arg12[%get3A_218, %get3A_219] {strides = array<i32>} : memref<320x32xf32, #tpu.memory_space<vmem>>, vector<1x16xf32>,
        %get3A_221 = vector.shape_cast %get3A_220 : vector<1x16xf32> to vector<16xf32>
        %add3A_222 = arith.addf %get3A_217, %get3A_221 : vector<16xf32>
        %mul3A_223 = arith.constant 128 : i32
        %mul3A_224 = arith.muli %scan3A_156, %mul3A_223 : i32
        %add3A_225 = arith.constant 32 : i32
        %add3A_226 = arith.addi %mul3A_224, %add3A_225 : i32
        %add3A_227 = arith.constant 0 : i32
        %add3A_228 = arith.addi %add3A_226, %add3A_227 : i32
        %get3A_229 = arith.index_cast %add3A_228 : i32 to index
        %get3A_230 = tpu.vector_load %arg14[%get3A_229] {strides = array<i32>} : memref<10240xf32, #tpu.memory_space<vmem>>, vector<16xf32>,
        %get3A_231 = vector.shape_cast %get3A_230 : vector<16xf32> to vector<16xf32>
        %add3A_232 = arith.addf %add3A_222, %get3A_231 : vector<16xf32>
        %max3A_233 = arith.constant 0.000000e+00 : f32
        %max3A_234 = vector.broadcast %max3A_233 : f32 to vector<16xf32>
        %max3A_235 = arith.maximumf %add3A_232, %max3A_234 : vector<16xf32>
        %swap3A_236 = arith.index_cast %add3A_213 : i32 to index
        %swap3A_237 = arith.constant 0 : index
        %swap3A_238 = tpu.vector_load %arg10[%swap3A_236, %swap3A_237] {strides = array<i32>} : memref<320x32xf32, #tpu.memory_space<vmem>>, vector<1x16xf32>,
        %swap3A_239 = vector.shape_cast %swap3A_238 : vector<1x16xf32> to vector<16xf32>
        %swap3A_240 = vector.shape_cast %max3A_235 : vector<16xf32> to vector<1x16xf32>
        tpu.vector_store %arg10[%swap3A_236, %swap3A_237], %swap3A_240 {strides = array<i32>} : memref<320x32xf32, #tpu.memory_space<vmem>>, vector<1x16xf32>,
        %add3A_241 = arith.constant 80 : i32
        %add3A_242 = arith.addi %add3A_241, %scan3A_156 : i32
        %get3A_243 = arith.index_cast %add3A_242 : i32 to index
        %get3A_244 = arith.constant 16 : index
        %get3A_245 = tpu.vector_load %arg10[%get3A_243, %get3A_244] {strides = array<i32>} : memref<320x32xf32, #tpu.memory_space<vmem>>, vector<1x16xf32>,
        %get3A_246 = vector.shape_cast %get3A_245 : vector<1x16xf32> to vector<16xf32>
        %get3A_247 = arith.index_cast %add3A_242 : i32 to index
        %get3A_248 = arith.constant 16 : index
        %get3A_249 = tpu.vector_load %arg12[%get3A_247, %get3A_248] {strides = array<i32>} : memref<320x32xf32, #tpu.memory_space<vmem>>, vector<1x16xf32>,
        %get3A_250 = vector.shape_cast %get3A_249 : vector<1x16xf32> to vector<16xf32>
        %add3A_251 = arith.addf %get3A_246, %get3A_250 : vector<16xf32>
        %mul3A_252 = arith.constant 128 : i32
        %mul3A_253 = arith.muli %scan3A_156, %mul3A_252 : i32
        %add3A_254 = arith.constant 32 : i32
        %add3A_255 = arith.addi %mul3A_253, %add3A_254 : i32
        %add3A_256 = arith.constant 16 : i32
        %add3A_257 = arith.addi %add3A_255, %add3A_256 : i32
        %get3A_258 = arith.index_cast %add3A_257 : i32 to index
        %get3A_259 = tpu.vector_load %arg14[%get3A_258] {strides = array<i32>} : memref<10240xf32, #tpu.memory_space<vmem>>, vector<16xf32>,
        %get3A_260 = vector.shape_cast %get3A_259 : vector<16xf32> to vector<16xf32>
        %add3A_261 = arith.addf %add3A_251, %get3A_260 : vector<16xf32>
        %max3A_262 = arith.constant 0.000000e+00 : f32
        %max3A_263 = vector.broadcast %max3A_262 : f32 to vector<16xf32>
        %max3A_264 = arith.maximumf %add3A_261, %max3A_263 : vector<16xf32>
        %swap3A_265 = arith.index_cast %add3A_242 : i32 to index
        %swap3A_266 = arith.constant 16 : index
        %swap3A_267 = tpu.vector_load %arg10[%swap3A_265, %swap3A_266] {strides = array<i32>} : memref<320x32xf32, #tpu.memory_space<vmem>>, vector<1x16xf32>,
        %swap3A_268 = vector.shape_cast %swap3A_267 : vector<1x16xf32> to vector<16xf32>
        %swap3A_269 = vector.shape_cast %max3A_264 : vector<16xf32> to vector<1x16xf32>
        tpu.vector_store %arg10[%swap3A_265, %swap3A_266], %swap3A_269 {strides = array<i32>} : memref<320x32xf32, #tpu.memory_space<vmem>>, vector<1x16xf32>,
        %add3A_270 = arith.constant 160 : i32
        %add3A_271 = arith.addi %add3A_270, %scan3A_156 : i32
        %get3A_272 = arith.index_cast %add3A_271 : i32 to index
        %get3A_273 = arith.constant 0 : index
        %get3A_274 = tpu.vector_load %arg10[%get3A_272, %get3A_273] {strides = array<i32>} : memref<320x32xf32, #tpu.memory_space<vmem>>, vector<1x16xf32>,
        %get3A_275 = vector.shape_cast %get3A_274 : vector<1x16xf32> to vector<16xf32>
        %get3A_276 = arith.index_cast %add3A_271 : i32 to index
        %get3A_277 = arith.constant 0 : index
        %get3A_278 = tpu.vector_load %arg12[%get3A_276, %get3A_277] {strides = array<i32>} : memref<320x32xf32, #tpu.memory_space<vmem>>, vector<1x16xf32>,
        %get3A_279 = vector.shape_cast %get3A_278 : vector<1x16xf32> to vector<16xf32>
        %add3A_280 = arith.addf %get3A_275, %get3A_279 : vector<16xf32>
        %mul3A_281 = arith.constant 128 : i32
        %mul3A_282 = arith.muli %scan3A_156, %mul3A_281 : i32
        %add3A_283 = arith.constant 64 : i32
        %add3A_284 = arith.addi %mul3A_282, %add3A_283 : i32
        %add3A_285 = arith.constant 0 : i32
        %add3A_286 = arith.addi %add3A_284, %add3A_285 : i32
        %get3A_287 = arith.index_cast %add3A_286 : i32 to index
        %get3A_288 = tpu.vector_load %arg14[%get3A_287] {strides = array<i32>} : memref<10240xf32, #tpu.memory_space<vmem>>, vector<16xf32>,
        %get3A_289 = vector.shape_cast %get3A_288 : vector<16xf32> to vector<16xf32>
        %add3A_290 = arith.addf %add3A_280, %get3A_289 : vector<16xf32>
        %max3A_291 = arith.constant 0.000000e+00 : f32
        %max3A_292 = vector.broadcast %max3A_291 : f32 to vector<16xf32>
        %max3A_293 = arith.maximumf %add3A_290, %max3A_292 : vector<16xf32>
        %swap3A_294 = arith.index_cast %add3A_271 : i32 to index
        %swap3A_295 = arith.constant 0 : index
        %swap3A_296 = tpu.vector_load %arg10[%swap3A_294, %swap3A_295] {strides = array<i32>} : memref<320x32xf32, #tpu.memory_space<vmem>>, vector<1x16xf32>,
        %swap3A_297 = vector.shape_cast %swap3A_296 : vector<1x16xf32> to vector<16xf32>
        %swap3A_298 = vector.shape_cast %max3A_293 : vector<16xf32> to vector<1x16xf32>
        tpu.vector_store %arg10[%swap3A_294, %swap3A_295], %swap3A_298 {strides = array<i32>} : memref<320x32xf32, #tpu.memory_space<vmem>>, vector<1x16xf32>,
        %add3A_299 = arith.constant 160 : i32
        %add3A_300 = arith.addi %add3A_299, %scan3A_156 : i32
        %get3A_301 = arith.index_cast %add3A_300 : i32 to index
        %get3A_302 = arith.constant 16 : index
        %get3A_303 = tpu.vector_load %arg10[%get3A_301, %get3A_302] {strides = array<i32>} : memref<320x32xf32, #tpu.memory_space<vmem>>, vector<1x16xf32>,
        %get3A_304 = vector.shape_cast %get3A_303 : vector<1x16xf32> to vector<16xf32>
        %get3A_305 = arith.index_cast %add3A_300 : i32 to index
        %get3A_306 = arith.constant 16 : index
        %get3A_307 = tpu.vector_load %arg12[%get3A_305, %get3A_306] {strides = array<i32>} : memref<320x32xf32, #tpu.memory_space<vmem>>, vector<1x16xf32>,
        %get3A_308 = vector.shape_cast %get3A_307 : vector<1x16xf32> to vector<16xf32>
        %add3A_309 = arith.addf %get3A_304, %get3A_308 : vector<16xf32>
        %mul3A_310 = arith.constant 128 : i32
        %mul3A_311 = arith.muli %scan3A_156, %mul3A_310 : i32
        %add3A_312 = arith.constant 64 : i32
        %add3A_313 = arith.addi %mul3A_311, %add3A_312 : i32
        %add3A_314 = arith.constant 16 : i32
        %add3A_315 = arith.addi %add3A_313, %add3A_314 : i32
        %get3A_316 = arith.index_cast %add3A_315 : i32 to index
        %get3A_317 = tpu.vector_load %arg14[%get3A_316] {strides = array<i32>} : memref<10240xf32, #tpu.memory_space<vmem>>, vector<16xf32>,
        %get3A_318 = vector.shape_cast %get3A_317 : vector<16xf32> to vector<16xf32>
        %add3A_319 = arith.addf %add3A_309, %get3A_318 : vector<16xf32>
        %max3A_320 = arith.constant 0.000000e+00 : f32
        %max3A_321 = vector.broadcast %max3A_320 : f32 to vector<16xf32>
        %max3A_322 = arith.maximumf %add3A_319, %max3A_321 : vector<16xf32>
        %swap3A_323 = arith.index_cast %add3A_300 : i32 to index
        %swap3A_324 = arith.constant 16 : index
        %swap3A_325 = tpu.vector_load %arg10[%swap3A_323, %swap3A_324] {strides = array<i32>} : memref<320x32xf32, #tpu.memory_space<vmem>>, vector<1x16xf32>,
        %swap3A_326 = vector.shape_cast %swap3A_325 : vector<1x16xf32> to vector<16xf32>
        %swap3A_327 = vector.shape_cast %max3A_322 : vector<16xf32> to vector<1x16xf32>
        tpu.vector_store %arg10[%swap3A_323, %swap3A_324], %swap3A_327 {strides = array<i32>} : memref<320x32xf32, #tpu.memory_space<vmem>>, vector<1x16xf32>,
        %add3A_328 = arith.constant 240 : i32
        %add3A_329 = arith.addi %add3A_328, %scan3A_156 : i32
        %get3A_330 = arith.index_cast %add3A_329 : i32 to index
        %get3A_331 = arith.constant 0 : index
        %get3A_332 = tpu.vector_load %arg10[%get3A_330, %get3A_331] {strides = array<i32>} : memref<320x32xf32, #tpu.memory_space<vmem>>, vector<1x16xf32>,
        %get3A_333 = vector.shape_cast %get3A_332 : vector<1x16xf32> to vector<16xf32>
        %get3A_334 = arith.index_cast %add3A_329 : i32 to index
        %get3A_335 = arith.constant 0 : index
        %get3A_336 = tpu.vector_load %arg12[%get3A_334, %get3A_335] {strides = array<i32>} : memref<320x32xf32, #tpu.memory_space<vmem>>, vector<1x16xf32>,
        %get3A_337 = vector.shape_cast %get3A_336 : vector<1x16xf32> to vector<16xf32>
        %add3A_338 = arith.addf %get3A_333, %get3A_337 : vector<16xf32>
        %mul3A_339 = arith.constant 128 : i32
        %mul3A_340 = arith.muli %scan3A_156, %mul3A_339 : i32
        %add3A_341 = arith.constant 96 : i32
        %add3A_342 = arith.addi %mul3A_340, %add3A_341 : i32
        %add3A_343 = arith.constant 0 : i32
        %add3A_344 = arith.addi %add3A_342, %add3A_343 : i32
        %get3A_345 = arith.index_cast %add3A_344 : i32 to index
        %get3A_346 = tpu.vector_load %arg14[%get3A_345] {strides = array<i32>} : memref<10240xf32, #tpu.memory_space<vmem>>, vector<16xf32>,
        %get3A_347 = vector.shape_cast %get3A_346 : vector<16xf32> to vector<16xf32>
        %add3A_348 = arith.addf %add3A_338, %get3A_347 : vector<16xf32>
        %max3A_349 = arith.constant 0.000000e+00 : f32
        %max3A_350 = vector.broadcast %max3A_349 : f32 to vector<16xf32>
        %max3A_351 = arith.maximumf %add3A_348, %max3A_350 : vector<16xf32>
        %swap3A_352 = arith.index_cast %add3A_329 : i32 to index
        %swap3A_353 = arith.constant 0 : index
        %swap3A_354 = tpu.vector_load %arg10[%swap3A_352, %swap3A_353] {strides = array<i32>} : memref<320x32xf32, #tpu.memory_space<vmem>>, vector<1x16xf32>,
        %swap3A_355 = vector.shape_cast %swap3A_354 : vector<1x16xf32> to vector<16xf32>
        %swap3A_356 = vector.shape_cast %max3A_351 : vector<16xf32> to vector<1x16xf32>
        tpu.vector_store %arg10[%swap3A_352, %swap3A_353], %swap3A_356 {strides = array<i32>} : memref<320x32xf32, #tpu.memory_space<vmem>>, vector<1x16xf32>,
        %add3A_357 = arith.constant 240 : i32
        %add3A_358 = arith.addi %add3A_357, %scan3A_156 : i32
        %get3A_359 = arith.index_cast %add3A_358 : i32 to index
        %get3A_360 = arith.constant 16 : index
        %get3A_361 = tpu.vector_load %arg10[%get3A_359, %get3A_360] {strides = array<i32>} : memref<320x32xf32, #tpu.memory_space<vmem>>, vector<1x16xf32>,
        %get3A_362 = vector.shape_cast %get3A_361 : vector<1x16xf32> to vector<16xf32>
        %get3A_363 = arith.index_cast %add3A_358 : i32 to index
        %get3A_364 = arith.constant 16 : index
        %get3A_365 = tpu.vector_load %arg12[%get3A_363, %get3A_364] {strides = array<i32>} : memref<320x32xf32, #tpu.memory_space<vmem>>, vector<1x16xf32>,
        %get3A_366 = vector.shape_cast %get3A_365 : vector<1x16xf32> to vector<16xf32>
        %add3A_367 = arith.addf %get3A_362, %get3A_366 : vector<16xf32>
        %mul3A_368 = arith.constant 128 : i32
        %mul3A_369 = arith.muli %scan3A_156, %mul3A_368 : i32
        %add3A_370 = arith.constant 96 : i32
        %add3A_371 = arith.addi %mul3A_369, %add3A_370 : i32
        %add3A_372 = arith.constant 16 : i32
        %add3A_373 = arith.addi %add3A_371, %add3A_372 : i32
        %get3A_374 = arith.index_cast %add3A_373 : i32 to index
        %get3A_375 = tpu.vector_load %arg14[%get3A_374] {strides = array<i32>} : memref<10240xf32, #tpu.memory_space<vmem>>, vector<16xf32>,
        %get3A_376 = vector.shape_cast %get3A_375 : vector<16xf32> to vector<16xf32>
        %add3A_377 = arith.addf %add3A_367, %get3A_376 : vector<16xf32>
        %max3A_378 = arith.constant 0.000000e+00 : f32
        %max3A_379 = vector.broadcast %max3A_378 : f32 to vector<16xf32>
        %max3A_380 = arith.maximumf %add3A_377, %max3A_379 : vector<16xf32>
        %swap3A_381 = arith.index_cast %add3A_358 : i32 to index
        %swap3A_382 = arith.constant 16 : index
        %swap3A_383 = tpu.vector_load %arg10[%swap3A_381, %swap3A_382] {strides = array<i32>} : memref<320x32xf32, #tpu.memory_space<vmem>>, vector<1x16xf32>,
        %swap3A_384 = vector.shape_cast %swap3A_383 : vector<1x16xf32> to vector<16xf32>
        %swap3A_385 = vector.shape_cast %max3A_380 : vector<16xf32> to vector<1x16xf32>
        tpu.vector_store %arg10[%swap3A_381, %swap3A_382], %swap3A_385 {strides = array<i32>} : memref<320x32xf32, #tpu.memory_space<vmem>>, vector<1x16xf32>,
      }
      %scan3A_149 = arith.constant 80 : i32
      %dma_start3A_150 = arith.constant 0 : i32
      %dma_start3A_151 = tpu.memref_slice %arg7[%add3A_118, %dma_start3A_150] : memref<32x320xi32, #tpu.memory_space<vmem>> -> memref<1x320xi32, #tpu.memory_space<vmem>>
      %dma_start3A_152 = tpu.memref_squeeze %dma_start3A_151 : memref<1x320xi32, #tpu.memory_space<vmem>> -> memref<320xi32, #tpu.memory_space<vmem>>
      %dma_start3A_153 = arith.constant 0 : i32
      %dma_start3A_154 = arith.constant 0 : i32
      %dma_start3A_155 = tpu.memref_slice %arg16[%dma_start3A_153, %dma_start3A_154] : memref<10240x32xf32, #tpu.memory_space<vmem_shared>> -> memref<10240x32xf32, #tpu.memory_space<vmem_shared>>
      tpu.enqueue_indirect_dma source(%arg10 : memref<320x32xf32, #tpu.memory_space<vmem>>) target(%dma_start3A_155 : memref<10240x32xf32, #tpu.memory_space<vmem_shared>>) offsets(%dma_start3A_152 : memref<320xi32, #tpu.memory_space<vmem>>) semaphore(%arg24 : memref<!tpu.dma_semaphore, #tpu.memory_space<semaphore_mem>>) {add = true}
    }
    %while3A_57 = arith.constant 1 : i32
    scf.for %while3A_76 = %while3A_55 to %while3A_51 step %while3A_57  : i32 {
      %mul3A_77 = arith.constant 2 : i32
      %mul3A_78 = arith.muli %mul3A_77, %while3A_76 : i32
      %add3A_79 = arith.constant 0 : i32
      %add3A_80 = arith.addi %mul3A_78, %add3A_79 : i32
      %add3A_81 = arith.constant 1 : i32
      %add3A_82 = arith.addi %add3A_80, %add3A_81 : i32
      %lt3A = arith.cmpi slt, %add3A_82, %select_n3A : i32
      %convert_element_type3A = arith.extui %lt3A : i1 to i32
      %cond3A = arith.constant 0 : i32
      %cond3A_83 = arith.cmpi ne, %convert_element_type3A, %cond3A : i32
      scf.if %cond3A_83 {
        %ge3A = arith.constant 1 : i32
        %ge3A_156 = arith.cmpi sge, %add3A_80, %ge3A : i32
        %convert_element_type3A_157 = arith.extui %ge3A_156 : i1 to i32
        %cond3A_158 = arith.constant 0 : i32
        %cond3A_159 = arith.cmpi ne, %convert_element_type3A_157, %cond3A_158 : i32
        scf.if %cond3A_159 {
          %sub3A_179 = arith.constant 1 : i32
          %sub3A_180 = arith.subi %add3A_80, %sub3A_179 : i32
          %dma_wait3A_181 = arith.constant 0 : i32
          %dma_wait3A_182 = tpu.memref_slice %arg7[%sub3A_180, %dma_wait3A_181] : memref<32x320xi32, #tpu.memory_space<vmem>> -> memref<1x320xi32, #tpu.memory_space<vmem>>
          %dma_wait3A_183 = tpu.memref_squeeze %dma_wait3A_182 : memref<1x320xi32, #tpu.memory_space<vmem>> -> memref<320xi32, #tpu.memory_space<vmem>>
          %dma_wait3A_184 = arith.constant 0 : i32
          %dma_wait3A_185 = arith.constant 0 : i32
          %dma_wait3A_186 = tpu.memref_slice %arg16[%dma_wait3A_184, %dma_wait3A_185] : memref<10240x32xf32, #tpu.memory_space<vmem_shared>> -> memref<10240x32xf32, #tpu.memory_space<vmem_shared>>
          tpu.wait_indirect_dma semaphore(%arg24 : memref<!tpu.dma_semaphore, #tpu.memory_space<semaphore_mem>>) src(%arg10 : memref<320x32xf32, #tpu.memory_space<vmem>>) dst(%dma_wait3A_186 : memref<10240x32xf32, #tpu.memory_space<vmem_shared>>)
        } else {
        }
        %dma_start3A_160 = arith.constant 0 : i32
        %dma_start3A_161 = tpu.memref_slice %arg7[%add3A_82, %dma_start3A_160] : memref<32x320xi32, #tpu.memory_space<vmem>> -> memref<1x320xi32, #tpu.memory_space<vmem>>
        %dma_start3A_162 = tpu.memref_squeeze %dma_start3A_161 : memref<1x320xi32, #tpu.memory_space<vmem>> -> memref<320xi32, #tpu.memory_space<vmem>>
        %dma_start3A_163 = arith.constant 0 : i32
        %dma_start3A_164 = arith.constant 0 : i32
        %dma_start3A_165 = tpu.memref_slice %arg3[%dma_start3A_163, %dma_start3A_164] : memref<10240x32xf32, #tpu.memory_space<hbm>> -> memref<10240x32xf32, #tpu.memory_space<hbm>>
        tpu.enqueue_indirect_dma source(%dma_start3A_165 : memref<10240x32xf32, #tpu.memory_space<hbm>>) target(%arg10 : memref<320x32xf32, #tpu.memory_space<vmem>>) offsets(%dma_start3A_162 : memref<320xi32, #tpu.memory_space<vmem>>) semaphore(%arg18 : memref<!tpu.dma_semaphore, #tpu.memory_space<semaphore_mem>>)
        %dma_start3A_166 = arith.constant 0 : i32
        %dma_start3A_167 = tpu.memref_slice %arg8[%add3A_82, %dma_start3A_166] : memref<32x320xi32, #tpu.memory_space<vmem>> -> memref<1x320xi32, #tpu.memory_space<vmem>>
        %dma_start3A_168 = tpu.memref_squeeze %dma_start3A_167 : memref<1x320xi32, #tpu.memory_space<vmem>> -> memref<320xi32, #tpu.memory_space<vmem>>
        %dma_start3A_169 = arith.constant 0 : i32
        %dma_start3A_170 = arith.constant 0 : i32
        %dma_start3A_171 = tpu.memref_slice %arg4[%dma_start3A_169, %dma_start3A_170] : memref<10240x32xf32, #tpu.memory_space<hbm>> -> memref<10240x32xf32, #tpu.memory_space<hbm>>
        tpu.enqueue_indirect_dma source(%dma_start3A_171 : memref<10240x32xf32, #tpu.memory_space<hbm>>) target(%arg12 : memref<320x32xf32, #tpu.memory_space<vmem>>) offsets(%dma_start3A_168 : memref<320xi32, #tpu.memory_space<vmem>>) semaphore(%arg20 : memref<!tpu.dma_semaphore, #tpu.memory_space<semaphore_mem>>)
        %mul3A_172 = arith.constant 327680 : i32
        %mul3A_173 = arith.muli %add3A, %mul3A_172 : i32
        %mul3A_174 = arith.constant 10240 : i32
        %mul3A_175 = arith.muli %add3A_82, %mul3A_174 : i32
        %add3A_176 = arith.addi %mul3A_173, %mul3A_175 : i32
        %dma_start3A_177 = tpu.memref_slice %arg5[%add3A_176] : memref<10240000xf32, #tpu.memory_space<hbm>> -> memref<10240xf32, #tpu.memory_space<hbm>>
        %dma_start3A_178 = tpu.memref_slice %arg5[%add3A_176] : memref<10240000xf32, #tpu.memory_space<hbm>> -> memref<10240xf32, #tpu.memory_space<hbm>>
        tpu.enqueue_dma source(%dma_start3A_178 : memref<10240xf32, #tpu.memory_space<hbm>>) target(%arg14 : memref<10240xf32, #tpu.memory_space<vmem>>) target_semaphore(%arg22 : memref<!tpu.dma_semaphore, #tpu.memory_space<semaphore_mem>>)
      } else {
      }
      %dma_wait3A_84 = arith.constant 0 : i32
      %dma_wait3A_85 = tpu.memref_slice %arg7[%add3A_80, %dma_wait3A_84] : memref<32x320xi32, #tpu.memory_space<vmem>> -> memref<1x320xi32, #tpu.memory_space<vmem>>
      %dma_wait3A_86 = tpu.memref_squeeze %dma_wait3A_85 : memref<1x320xi32, #tpu.memory_space<vmem>> -> memref<320xi32, #tpu.memory_space<vmem>>
      %dma_wait3A_87 = arith.constant 0 : i32
      %dma_wait3A_88 = arith.constant 0 : i32
      %dma_wait3A_89 = tpu.memref_slice %arg3[%dma_wait3A_87, %dma_wait3A_88] : memref<10240x32xf32, #tpu.memory_space<hbm>> -> memref<10240x32xf32, #tpu.memory_space<hbm>>
      tpu.wait_indirect_dma semaphore(%arg17 : memref<!tpu.dma_semaphore, #tpu.memory_space<semaphore_mem>>) src(%dma_wait3A_89 : memref<10240x32xf32, #tpu.memory_space<hbm>>) dst(%arg9 : memref<320x32xf32, #tpu.memory_space<vmem>>)
      %dma_wait3A_90 = arith.constant 0 : i32
      %dma_wait3A_91 = tpu.memref_slice %arg8[%add3A_80, %dma_wait3A_90] : memref<32x320xi32, #tpu.memory_space<vmem>> -> memref<1x320xi32, #tpu.memory_space<vmem>>
      %dma_wait3A_92 = tpu.memref_squeeze %dma_wait3A_91 : memref<1x320xi32, #tpu.memory_space<vmem>> -> memref<320xi32, #tpu.memory_space<vmem>>
      %dma_wait3A_93 = arith.constant 0 : i32
      %dma_wait3A_94 = arith.constant 0 : i32
      %dma_wait3A_95 = tpu.memref_slice %arg4[%dma_wait3A_93, %dma_wait3A_94] : memref<10240x32xf32, #tpu.memory_space<hbm>> -> memref<10240x32xf32, #tpu.memory_space<hbm>>
      tpu.wait_indirect_dma semaphore(%arg19 : memref<!tpu.dma_semaphore, #tpu.memory_space<semaphore_mem>>) src(%dma_wait3A_95 : memref<10240x32xf32, #tpu.memory_space<hbm>>) dst(%arg11 : memref<320x32xf32, #tpu.memory_space<vmem>>)
      %mul3A_96 = arith.constant 327680 : i32
      %mul3A_97 = arith.muli %add3A, %mul3A_96 : i32
      %mul3A_98 = arith.constant 10240 : i32
      %mul3A_99 = arith.muli %add3A_80, %mul3A_98 : i32
      %add3A_100 = arith.addi %mul3A_97, %mul3A_99 : i32
      %dma_wait3A_101 = tpu.memref_slice %arg5[%add3A_100] : memref<10240000xf32, #tpu.memory_space<hbm>> -> memref<10240xf32, #tpu.memory_space<hbm>>
      %dma_wait3A_102 = tpu.memref_slice %arg5[%add3A_100] : memref<10240000xf32, #tpu.memory_space<hbm>> -> memref<10240xf32, #tpu.memory_space<hbm>>
      tpu.wait_dma2 semaphore(%arg21 : memref<!tpu.dma_semaphore, #tpu.memory_space<semaphore_mem>>) src(%dma_wait3A_102 : memref<10240xf32, #tpu.memory_space<hbm>>) dst(%arg13 : memref<10240xf32, #tpu.memory_space<vmem>>)
      %scan3A_103 = arith.constant 0 : i32
      %scan3A_104 = arith.constant 0 : i32
      %scan3A_105 = arith.constant 80 : i32
      %scan3A_106 = arith.addi %scan3A_104, %scan3A_105 : i32
      %scan3A_107 = arith.constant 1 : i32
      scf.for %scan3A_156 = %scan3A_104 to %scan3A_106 step %scan3A_107  : i32 {
        %add3A_157 = arith.constant 0 : i32
        %add3A_158 = arith.addi %add3A_157, %scan3A_156 : i32
        %get3A = arith.index_cast %add3A_158 : i32 to index
        %get3A_159 = arith.constant 0 : index
        %get3A_160 = tpu.vector_load %arg9[%get3A, %get3A_159] {strides = array<i32>} : memref<320x32xf32, #tpu.memory_space<vmem>>, vector<1x16xf32>,
        %get3A_161 = vector.shape_cast %get3A_160 : vector<1x16xf32> to vector<16xf32>
        %get3A_162 = arith.index_cast %add3A_158 : i32 to index
        %get3A_163 = arith.constant 0 : index
        %get3A_164 = tpu.vector_load %arg11[%get3A_162, %get3A_163] {strides = array<i32>} : memref<320x32xf32, #tpu.memory_space<vmem>>, vector<1x16xf32>,
        %get3A_165 = vector.shape_cast %get3A_164 : vector<1x16xf32> to vector<16xf32>
        %add3A_166 = arith.addf %get3A_161, %get3A_165 : vector<16xf32>
        %mul3A_167 = arith.constant 128 : i32
        %mul3A_168 = arith.muli %scan3A_156, %mul3A_167 : i32
        %add3A_169 = arith.constant 0 : i32
        %add3A_170 = arith.addi %mul3A_168, %add3A_169 : i32
        %add3A_171 = arith.constant 0 : i32
        %add3A_172 = arith.addi %add3A_170, %add3A_171 : i32
        %get3A_173 = arith.index_cast %add3A_172 : i32 to index
        %get3A_174 = tpu.vector_load %arg13[%get3A_173] {strides = array<i32>} : memref<10240xf32, #tpu.memory_space<vmem>>, vector<16xf32>,
        %get3A_175 = vector.shape_cast %get3A_174 : vector<16xf32> to vector<16xf32>
        %add3A_176 = arith.addf %add3A_166, %get3A_175 : vector<16xf32>
        %max3A = arith.constant 0.000000e+00 : f32
        %max3A_177 = vector.broadcast %max3A : f32 to vector<16xf32>
        %max3A_178 = arith.maximumf %add3A_176, %max3A_177 : vector<16xf32>
        %swap3A = arith.index_cast %add3A_158 : i32 to index
        %swap3A_179 = arith.constant 0 : index
        %swap3A_180 = tpu.vector_load %arg9[%swap3A, %swap3A_179] {strides = array<i32>} : memref<320x32xf32, #tpu.memory_space<vmem>>, vector<1x16xf32>,
        %swap3A_181 = vector.shape_cast %swap3A_180 : vector<1x16xf32> to vector<16xf32>
        %swap3A_182 = vector.shape_cast %max3A_178 : vector<16xf32> to vector<1x16xf32>
        tpu.vector_store %arg9[%swap3A, %swap3A_179], %swap3A_182 {strides = array<i32>} : memref<320x32xf32, #tpu.memory_space<vmem>>, vector<1x16xf32>,
        %add3A_183 = arith.constant 0 : i32
        %add3A_184 = arith.addi %add3A_183, %scan3A_156 : i32
        %get3A_185 = arith.index_cast %add3A_184 : i32 to index
        %get3A_186 = arith.constant 16 : index
        %get3A_187 = tpu.vector_load %arg9[%get3A_185, %get3A_186] {strides = array<i32>} : memref<320x32xf32, #tpu.memory_space<vmem>>, vector<1x16xf32>,
        %get3A_188 = vector.shape_cast %get3A_187 : vector<1x16xf32> to vector<16xf32>
        %get3A_189 = arith.index_cast %add3A_184 : i32 to index
        %get3A_190 = arith.constant 16 : index
        %get3A_191 = tpu.vector_load %arg11[%get3A_189, %get3A_190] {strides = array<i32>} : memref<320x32xf32, #tpu.memory_space<vmem>>, vector<1x16xf32>,
        %get3A_192 = vector.shape_cast %get3A_191 : vector<1x16xf32> to vector<16xf32>
        %add3A_193 = arith.addf %get3A_188, %get3A_192 : vector<16xf32>
        %mul3A_194 = arith.constant 128 : i32
        %mul3A_195 = arith.muli %scan3A_156, %mul3A_194 : i32
        %add3A_196 = arith.constant 0 : i32
        %add3A_197 = arith.addi %mul3A_195, %add3A_196 : i32
        %add3A_198 = arith.constant 16 : i32
        %add3A_199 = arith.addi %add3A_197, %add3A_198 : i32
        %get3A_200 = arith.index_cast %add3A_199 : i32 to index
        %get3A_201 = tpu.vector_load %arg13[%get3A_200] {strides = array<i32>} : memref<10240xf32, #tpu.memory_space<vmem>>, vector<16xf32>,
        %get3A_202 = vector.shape_cast %get3A_201 : vector<16xf32> to vector<16xf32>
        %add3A_203 = arith.addf %add3A_193, %get3A_202 : vector<16xf32>
        %max3A_204 = arith.constant 0.000000e+00 : f32
        %max3A_205 = vector.broadcast %max3A_204 : f32 to vector<16xf32>
        %max3A_206 = arith.maximumf %add3A_203, %max3A_205 : vector<16xf32>
        %swap3A_207 = arith.index_cast %add3A_184 : i32 to index
        %swap3A_208 = arith.constant 16 : index
        %swap3A_209 = tpu.vector_load %arg9[%swap3A_207, %swap3A_208] {strides = array<i32>} : memref<320x32xf32, #tpu.memory_space<vmem>>, vector<1x16xf32>,
        %swap3A_210 = vector.shape_cast %swap3A_209 : vector<1x16xf32> to vector<16xf32>
        %swap3A_211 = vector.shape_cast %max3A_206 : vector<16xf32> to vector<1x16xf32>
        tpu.vector_store %arg9[%swap3A_207, %swap3A_208], %swap3A_211 {strides = array<i32>} : memref<320x32xf32, #tpu.memory_space<vmem>>, vector<1x16xf32>,
        %add3A_212 = arith.constant 80 : i32
        %add3A_213 = arith.addi %add3A_212, %scan3A_156 : i32
        %get3A_214 = arith.index_cast %add3A_213 : i32 to index
        %get3A_215 = arith.constant 0 : index
        %get3A_216 = tpu.vector_load %arg9[%get3A_214, %get3A_215] {strides = array<i32>} : memref<320x32xf32, #tpu.memory_space<vmem>>, vector<1x16xf32>,
        %get3A_217 = vector.shape_cast %get3A_216 : vector<1x16xf32> to vector<16xf32>
        %get3A_218 = arith.index_cast %add3A_213 : i32 to index
        %get3A_219 = arith.constant 0 : index
        %get3A_220 = tpu.vector_load %arg11[%get3A_218, %get3A_219] {strides = array<i32>} : memref<320x32xf32, #tpu.memory_space<vmem>>, vector<1x16xf32>,
        %get3A_221 = vector.shape_cast %get3A_220 : vector<1x16xf32> to vector<16xf32>
        %add3A_222 = arith.addf %get3A_217, %get3A_221 : vector<16xf32>
        %mul3A_223 = arith.constant 128 : i32
        %mul3A_224 = arith.muli %scan3A_156, %mul3A_223 : i32
        %add3A_225 = arith.constant 32 : i32
        %add3A_226 = arith.addi %mul3A_224, %add3A_225 : i32
        %add3A_227 = arith.constant 0 : i32
        %add3A_228 = arith.addi %add3A_226, %add3A_227 : i32
        %get3A_229 = arith.index_cast %add3A_228 : i32 to index
        %get3A_230 = tpu.vector_load %arg13[%get3A_229] {strides = array<i32>} : memref<10240xf32, #tpu.memory_space<vmem>>, vector<16xf32>,
        %get3A_231 = vector.shape_cast %get3A_230 : vector<16xf32> to vector<16xf32>
        %add3A_232 = arith.addf %add3A_222, %get3A_231 : vector<16xf32>
        %max3A_233 = arith.constant 0.000000e+00 : f32
        %max3A_234 = vector.broadcast %max3A_233 : f32 to vector<16xf32>
        %max3A_235 = arith.maximumf %add3A_232, %max3A_234 : vector<16xf32>
        %swap3A_236 = arith.index_cast %add3A_213 : i32 to index
        %swap3A_237 = arith.constant 0 : index
        %swap3A_238 = tpu.vector_load %arg9[%swap3A_236, %swap3A_237] {strides = array<i32>} : memref<320x32xf32, #tpu.memory_space<vmem>>, vector<1x16xf32>,
        %swap3A_239 = vector.shape_cast %swap3A_238 : vector<1x16xf32> to vector<16xf32>
        %swap3A_240 = vector.shape_cast %max3A_235 : vector<16xf32> to vector<1x16xf32>
        tpu.vector_store %arg9[%swap3A_236, %swap3A_237], %swap3A_240 {strides = array<i32>} : memref<320x32xf32, #tpu.memory_space<vmem>>, vector<1x16xf32>,
        %add3A_241 = arith.constant 80 : i32
        %add3A_242 = arith.addi %add3A_241, %scan3A_156 : i32
        %get3A_243 = arith.index_cast %add3A_242 : i32 to index
        %get3A_244 = arith.constant 16 : index
        %get3A_245 = tpu.vector_load %arg9[%get3A_243, %get3A_244] {strides = array<i32>} : memref<320x32xf32, #tpu.memory_space<vmem>>, vector<1x16xf32>,
        %get3A_246 = vector.shape_cast %get3A_245 : vector<1x16xf32> to vector<16xf32>
        %get3A_247 = arith.index_cast %add3A_242 : i32 to index
        %get3A_248 = arith.constant 16 : index
        %get3A_249 = tpu.vector_load %arg11[%get3A_247, %get3A_248] {strides = array<i32>} : memref<320x32xf32, #tpu.memory_space<vmem>>, vector<1x16xf32>,
        %get3A_250 = vector.shape_cast %get3A_249 : vector<1x16xf32> to vector<16xf32>
        %add3A_251 = arith.addf %get3A_246, %get3A_250 : vector<16xf32>
        %mul3A_252 = arith.constant 128 : i32
        %mul3A_253 = arith.muli %scan3A_156, %mul3A_252 : i32
        %add3A_254 = arith.constant 32 : i32
        %add3A_255 = arith.addi %mul3A_253, %add3A_254 : i32
        %add3A_256 = arith.constant 16 : i32
        %add3A_257 = arith.addi %add3A_255, %add3A_256 : i32
        %get3A_258 = arith.index_cast %add3A_257 : i32 to index
        %get3A_259 = tpu.vector_load %arg13[%get3A_258] {strides = array<i32>} : memref<10240xf32, #tpu.memory_space<vmem>>, vector<16xf32>,
        %get3A_260 = vector.shape_cast %get3A_259 : vector<16xf32> to vector<16xf32>
        %add3A_261 = arith.addf %add3A_251, %get3A_260 : vector<16xf32>
        %max3A_262 = arith.constant 0.000000e+00 : f32
        %max3A_263 = vector.broadcast %max3A_262 : f32 to vector<16xf32>
        %max3A_264 = arith.maximumf %add3A_261, %max3A_263 : vector<16xf32>
        %swap3A_265 = arith.index_cast %add3A_242 : i32 to index
        %swap3A_266 = arith.constant 16 : index
        %swap3A_267 = tpu.vector_load %arg9[%swap3A_265, %swap3A_266] {strides = array<i32>} : memref<320x32xf32, #tpu.memory_space<vmem>>, vector<1x16xf32>,
        %swap3A_268 = vector.shape_cast %swap3A_267 : vector<1x16xf32> to vector<16xf32>
        %swap3A_269 = vector.shape_cast %max3A_264 : vector<16xf32> to vector<1x16xf32>
        tpu.vector_store %arg9[%swap3A_265, %swap3A_266], %swap3A_269 {strides = array<i32>} : memref<320x32xf32, #tpu.memory_space<vmem>>, vector<1x16xf32>,
        %add3A_270 = arith.constant 160 : i32
        %add3A_271 = arith.addi %add3A_270, %scan3A_156 : i32
        %get3A_272 = arith.index_cast %add3A_271 : i32 to index
        %get3A_273 = arith.constant 0 : index
        %get3A_274 = tpu.vector_load %arg9[%get3A_272, %get3A_273] {strides = array<i32>} : memref<320x32xf32, #tpu.memory_space<vmem>>, vector<1x16xf32>,
        %get3A_275 = vector.shape_cast %get3A_274 : vector<1x16xf32> to vector<16xf32>
        %get3A_276 = arith.index_cast %add3A_271 : i32 to index
        %get3A_277 = arith.constant 0 : index
        %get3A_278 = tpu.vector_load %arg11[%get3A_276, %get3A_277] {strides = array<i32>} : memref<320x32xf32, #tpu.memory_space<vmem>>, vector<1x16xf32>,
        %get3A_279 = vector.shape_cast %get3A_278 : vector<1x16xf32> to vector<16xf32>
        %add3A_280 = arith.addf %get3A_275, %get3A_279 : vector<16xf32>
        %mul3A_281 = arith.constant 128 : i32
        %mul3A_282 = arith.muli %scan3A_156, %mul3A_281 : i32
        %add3A_283 = arith.constant 64 : i32
        %add3A_284 = arith.addi %mul3A_282, %add3A_283 : i32
        %add3A_285 = arith.constant 0 : i32
        %add3A_286 = arith.addi %add3A_284, %add3A_285 : i32
        %get3A_287 = arith.index_cast %add3A_286 : i32 to index
        %get3A_288 = tpu.vector_load %arg13[%get3A_287] {strides = array<i32>} : memref<10240xf32, #tpu.memory_space<vmem>>, vector<16xf32>,
        %get3A_289 = vector.shape_cast %get3A_288 : vector<16xf32> to vector<16xf32>
        %add3A_290 = arith.addf %add3A_280, %get3A_289 : vector<16xf32>
        %max3A_291 = arith.constant 0.000000e+00 : f32
        %max3A_292 = vector.broadcast %max3A_291 : f32 to vector<16xf32>
        %max3A_293 = arith.maximumf %add3A_290, %max3A_292 : vector<16xf32>
        %swap3A_294 = arith.index_cast %add3A_271 : i32 to index
        %swap3A_295 = arith.constant 0 : index
        %swap3A_296 = tpu.vector_load %arg9[%swap3A_294, %swap3A_295] {strides = array<i32>} : memref<320x32xf32, #tpu.memory_space<vmem>>, vector<1x16xf32>,
        %swap3A_297 = vector.shape_cast %swap3A_296 : vector<1x16xf32> to vector<16xf32>
        %swap3A_298 = vector.shape_cast %max3A_293 : vector<16xf32> to vector<1x16xf32>
        tpu.vector_store %arg9[%swap3A_294, %swap3A_295], %swap3A_298 {strides = array<i32>} : memref<320x32xf32, #tpu.memory_space<vmem>>, vector<1x16xf32>,
        %add3A_299 = arith.constant 160 : i32
        %add3A_300 = arith.addi %add3A_299, %scan3A_156 : i32
        %get3A_301 = arith.index_cast %add3A_300 : i32 to index
        %get3A_302 = arith.constant 16 : index
        %get3A_303 = tpu.vector_load %arg9[%get3A_301, %get3A_302] {strides = array<i32>} : memref<320x32xf32, #tpu.memory_space<vmem>>, vector<1x16xf32>,
        %get3A_304 = vector.shape_cast %get3A_303 : vector<1x16xf32> to vector<16xf32>
        %get3A_305 = arith.index_cast %add3A_300 : i32 to index
        %get3A_306 = arith.constant 16 : index
        %get3A_307 = tpu.vector_load %arg11[%get3A_305, %get3A_306] {strides = array<i32>} : memref<320x32xf32, #tpu.memory_space<vmem>>, vector<1x16xf32>,
        %get3A_308 = vector.shape_cast %get3A_307 : vector<1x16xf32> to vector<16xf32>
        %add3A_309 = arith.addf %get3A_304, %get3A_308 : vector<16xf32>
        %mul3A_310 = arith.constant 128 : i32
        %mul3A_311 = arith.muli %scan3A_156, %mul3A_310 : i32
        %add3A_312 = arith.constant 64 : i32
        %add3A_313 = arith.addi %mul3A_311, %add3A_312 : i32
        %add3A_314 = arith.constant 16 : i32
        %add3A_315 = arith.addi %add3A_313, %add3A_314 : i32
        %get3A_316 = arith.index_cast %add3A_315 : i32 to index
        %get3A_317 = tpu.vector_load %arg13[%get3A_316] {strides = array<i32>} : memref<10240xf32, #tpu.memory_space<vmem>>, vector<16xf32>,
        %get3A_318 = vector.shape_cast %get3A_317 : vector<16xf32> to vector<16xf32>
        %add3A_319 = arith.addf %add3A_309, %get3A_318 : vector<16xf32>
        %max3A_320 = arith.constant 0.000000e+00 : f32
        %max3A_321 = vector.broadcast %max3A_320 : f32 to vector<16xf32>
        %max3A_322 = arith.maximumf %add3A_319, %max3A_321 : vector<16xf32>
        %swap3A_323 = arith.index_cast %add3A_300 : i32 to index
        %swap3A_324 = arith.constant 16 : index
        %swap3A_325 = tpu.vector_load %arg9[%swap3A_323, %swap3A_324] {strides = array<i32>} : memref<320x32xf32, #tpu.memory_space<vmem>>, vector<1x16xf32>,
        %swap3A_326 = vector.shape_cast %swap3A_325 : vector<1x16xf32> to vector<16xf32>
        %swap3A_327 = vector.shape_cast %max3A_322 : vector<16xf32> to vector<1x16xf32>
        tpu.vector_store %arg9[%swap3A_323, %swap3A_324], %swap3A_327 {strides = array<i32>} : memref<320x32xf32, #tpu.memory_space<vmem>>, vector<1x16xf32>,
        %add3A_328 = arith.constant 240 : i32
        %add3A_329 = arith.addi %add3A_328, %scan3A_156 : i32
        %get3A_330 = arith.index_cast %add3A_329 : i32 to index
        %get3A_331 = arith.constant 0 : index
        %get3A_332 = tpu.vector_load %arg9[%get3A_330, %get3A_331] {strides = array<i32>} : memref<320x32xf32, #tpu.memory_space<vmem>>, vector<1x16xf32>,
        %get3A_333 = vector.shape_cast %get3A_332 : vector<1x16xf32> to vector<16xf32>
        %get3A_334 = arith.index_cast %add3A_329 : i32 to index
        %get3A_335 = arith.constant 0 : index
        %get3A_336 = tpu.vector_load %arg11[%get3A_334, %get3A_335] {strides = array<i32>} : memref<320x32xf32, #tpu.memory_space<vmem>>, vector<1x16xf32>,
        %get3A_337 = vector.shape_cast %get3A_336 : vector<1x16xf32> to vector<16xf32>
        %add3A_338 = arith.addf %get3A_333, %get3A_337 : vector<16xf32>
        %mul3A_339 = arith.constant 128 : i32
        %mul3A_340 = arith.muli %scan3A_156, %mul3A_339 : i32
        %add3A_341 = arith.constant 96 : i32
        %add3A_342 = arith.addi %mul3A_340, %add3A_341 : i32
        %add3A_343 = arith.constant 0 : i32
        %add3A_344 = arith.addi %add3A_342, %add3A_343 : i32
        %get3A_345 = arith.index_cast %add3A_344 : i32 to index
        %get3A_346 = tpu.vector_load %arg13[%get3A_345] {strides = array<i32>} : memref<10240xf32, #tpu.memory_space<vmem>>, vector<16xf32>,
        %get3A_347 = vector.shape_cast %get3A_346 : vector<16xf32> to vector<16xf32>
        %add3A_348 = arith.addf %add3A_338, %get3A_347 : vector<16xf32>
        %max3A_349 = arith.constant 0.000000e+00 : f32
        %max3A_350 = vector.broadcast %max3A_349 : f32 to vector<16xf32>
        %max3A_351 = arith.maximumf %add3A_348, %max3A_350 : vector<16xf32>
        %swap3A_352 = arith.index_cast %add3A_329 : i32 to index
        %swap3A_353 = arith.constant 0 : index
        %swap3A_354 = tpu.vector_load %arg9[%swap3A_352, %swap3A_353] {strides = array<i32>} : memref<320x32xf32, #tpu.memory_space<vmem>>, vector<1x16xf32>,
        %swap3A_355 = vector.shape_cast %swap3A_354 : vector<1x16xf32> to vector<16xf32>
        %swap3A_356 = vector.shape_cast %max3A_351 : vector<16xf32> to vector<1x16xf32>
        tpu.vector_store %arg9[%swap3A_352, %swap3A_353], %swap3A_356 {strides = array<i32>} : memref<320x32xf32, #tpu.memory_space<vmem>>, vector<1x16xf32>,
        %add3A_357 = arith.constant 240 : i32
        %add3A_358 = arith.addi %add3A_357, %scan3A_156 : i32
        %get3A_359 = arith.index_cast %add3A_358 : i32 to index
        %get3A_360 = arith.constant 16 : index
        %get3A_361 = tpu.vector_load %arg9[%get3A_359, %get3A_360] {strides = array<i32>} : memref<320x32xf32, #tpu.memory_space<vmem>>, vector<1x16xf32>,
        %get3A_362 = vector.shape_cast %get3A_361 : vector<1x16xf32> to vector<16xf32>
        %get3A_363 = arith.index_cast %add3A_358 : i32 to index
        %get3A_364 = arith.constant 16 : index
        %get3A_365 = tpu.vector_load %arg11[%get3A_363, %get3A_364] {strides = array<i32>} : memref<320x32xf32, #tpu.memory_space<vmem>>, vector<1x16xf32>,
        %get3A_366 = vector.shape_cast %get3A_365 : vector<1x16xf32> to vector<16xf32>
        %add3A_367 = arith.addf %get3A_362, %get3A_366 : vector<16xf32>
        %mul3A_368 = arith.constant 128 : i32
        %mul3A_369 = arith.muli %scan3A_156, %mul3A_368 : i32
        %add3A_370 = arith.constant 96 : i32
        %add3A_371 = arith.addi %mul3A_369, %add3A_370 : i32
        %add3A_372 = arith.constant 16 : i32
        %add3A_373 = arith.addi %add3A_371, %add3A_372 : i32
        %get3A_374 = arith.index_cast %add3A_373 : i32 to index
        %get3A_375 = tpu.vector_load %arg13[%get3A_374] {strides = array<i32>} : memref<10240xf32, #tpu.memory_space<vmem>>, vector<16xf32>,
        %get3A_376 = vector.shape_cast %get3A_375 : vector<16xf32> to vector<16xf32>
        %add3A_377 = arith.addf %add3A_367, %get3A_376 : vector<16xf32>
        %max3A_378 = arith.constant 0.000000e+00 : f32
        %max3A_379 = vector.broadcast %max3A_378 : f32 to vector<16xf32>
        %max3A_380 = arith.maximumf %add3A_377, %max3A_379 : vector<16xf32>
        %swap3A_381 = arith.index_cast %add3A_358 : i32 to index
        %swap3A_382 = arith.constant 16 : index
        %swap3A_383 = tpu.vector_load %arg9[%swap3A_381, %swap3A_382] {strides = array<i32>} : memref<320x32xf32, #tpu.memory_space<vmem>>, vector<1x16xf32>,
        %swap3A_384 = vector.shape_cast %swap3A_383 : vector<1x16xf32> to vector<16xf32>
        %swap3A_385 = vector.shape_cast %max3A_380 : vector<16xf32> to vector<1x16xf32>
        tpu.vector_store %arg9[%swap3A_381, %swap3A_382], %swap3A_385 {strides = array<i32>} : memref<320x32xf32, #tpu.memory_space<vmem>>, vector<1x16xf32>,
      }
      %scan3A_108 = arith.constant 80 : i32
      %dma_start3A_109 = arith.constant 0 : i32
      %dma_start3A_110 = tpu.memref_slice %arg7[%add3A_80, %dma_start3A_109] : memref<32x320xi32, #tpu.memory_space<vmem>> -> memref<1x320xi32, #tpu.memory_space<vmem>>
      %dma_start3A_111 = tpu.memref_squeeze %dma_start3A_110 : memref<1x320xi32, #tpu.memory_space<vmem>> -> memref<320xi32, #tpu.memory_space<vmem>>
      %dma_start3A_112 = arith.constant 0 : i32
      %dma_start3A_113 = arith.constant 0 : i32
      %dma_start3A_114 = tpu.memref_slice %arg16[%dma_start3A_112, %dma_start3A_113] : memref<10240x32xf32, #tpu.memory_space<vmem_shared>> -> memref<10240x32xf32, #tpu.memory_space<vmem_shared>>
      tpu.enqueue_indirect_dma source(%arg9 : memref<320x32xf32, #tpu.memory_space<vmem>>) target(%dma_start3A_114 : memref<10240x32xf32, #tpu.memory_space<vmem_shared>>) offsets(%dma_start3A_111 : memref<320xi32, #tpu.memory_space<vmem>>) semaphore(%arg23 : memref<!tpu.dma_semaphore, #tpu.memory_space<semaphore_mem>>) {add = true}
      %mul3A_115 = arith.constant 2 : i32
      %mul3A_116 = arith.muli %mul3A_115, %while3A_76 : i32
      %add3A_117 = arith.constant 1 : i32
      %add3A_118 = arith.addi %mul3A_116, %add3A_117 : i32
      %add3A_119 = arith.constant 1 : i32
      %add3A_120 = arith.addi %add3A_118, %add3A_119 : i32
      %lt3A_121 = arith.cmpi slt, %add3A_120, %select_n3A : i32
      %convert_element_type3A_122 = arith.extui %lt3A_121 : i1 to i32
      %cond3A_123 = arith.constant 0 : i32
      %cond3A_124 = arith.cmpi ne, %convert_element_type3A_122, %cond3A_123 : i32
      scf.if %cond3A_124 {
        %ge3A = arith.constant 1 : i32
        %ge3A_156 = arith.cmpi sge, %add3A_118, %ge3A : i32
        %convert_element_type3A_157 = arith.extui %ge3A_156 : i1 to i32
        %cond3A_158 = arith.constant 0 : i32
        %cond3A_159 = arith.cmpi ne, %convert_element_type3A_157, %cond3A_158 : i32
        scf.if %cond3A_159 {
          %sub3A_179 = arith.constant 1 : i32
          %sub3A_180 = arith.subi %add3A_118, %sub3A_179 : i32
          %dma_wait3A_181 = arith.constant 0 : i32
          %dma_wait3A_182 = tpu.memref_slice %arg7[%sub3A_180, %dma_wait3A_181] : memref<32x320xi32, #tpu.memory_space<vmem>> -> memref<1x320xi32, #tpu.memory_space<vmem>>
          %dma_wait3A_183 = tpu.memref_squeeze %dma_wait3A_182 : memref<1x320xi32, #tpu.memory_space<vmem>> -> memref<320xi32, #tpu.memory_space<vmem>>
          %dma_wait3A_184 = arith.constant 0 : i32
          %dma_wait3A_185 = arith.constant 0 : i32
          %dma_wait3A_186 = tpu.memref_slice %arg16[%dma_wait3A_184, %dma_wait3A_185] : memref<10240x32xf32, #tpu.memory_space<vmem_shared>> -> memref<10240x32xf32, #tpu.memory_space<vmem_shared>>
          tpu.wait_indirect_dma semaphore(%arg23 : memref<!tpu.dma_semaphore, #tpu.memory_space<semaphore_mem>>) src(%arg9 : memref<320x32xf32, #tpu.memory_space<vmem>>) dst(%dma_wait3A_186 : memref<10240x32xf32, #tpu.memory_space<vmem_shared>>)
        } else {
        }
        %dma_start3A_160 = arith.constant 0 : i32
        %dma_start3A_161 = tpu.memref_slice %arg7[%add3A_120, %dma_start3A_160] : memref<32x320xi32, #tpu.memory_space<vmem>> -> memref<1x320xi32, #tpu.memory_space<vmem>>
        %dma_start3A_162 = tpu.memref_squeeze %dma_start3A_161 : memref<1x320xi32, #tpu.memory_space<vmem>> -> memref<320xi32, #tpu.memory_space<vmem>>
        %dma_start3A_163 = arith.constant 0 : i32
        %dma_start3A_164 = arith.constant 0 : i32
        %dma_start3A_165 = tpu.memref_slice %arg3[%dma_start3A_163, %dma_start3A_164] : memref<10240x32xf32, #tpu.memory_space<hbm>> -> memref<10240x32xf32, #tpu.memory_space<hbm>>
        tpu.enqueue_indirect_dma source(%dma_start3A_165 : memref<10240x32xf32, #tpu.memory_space<hbm>>) target(%arg9 : memref<320x32xf32, #tpu.memory_space<vmem>>) offsets(%dma_start3A_162 : memref<320xi32, #tpu.memory_space<vmem>>) semaphore(%arg17 : memref<!tpu.dma_semaphore, #tpu.memory_space<semaphore_mem>>)
        %dma_start3A_166 = arith.constant 0 : i32
        %dma_start3A_167 = tpu.memref_slice %arg8[%add3A_120, %dma_start3A_166] : memref<32x320xi32, #tpu.memory_space<vmem>> -> memref<1x320xi32, #tpu.memory_space<vmem>>
        %dma_start3A_168 = tpu.memref_squeeze %dma_start3A_167 : memref<1x320xi32, #tpu.memory_space<vmem>> -> memref<320xi32, #tpu.memory_space<vmem>>
        %dma_start3A_169 = arith.constant 0 : i32
        %dma_start3A_170 = arith.constant 0 : i32
        %dma_start3A_171 = tpu.memref_slice %arg4[%dma_start3A_169, %dma_start3A_170] : memref<10240x32xf32, #tpu.memory_space<hbm>> -> memref<10240x32xf32, #tpu.memory_space<hbm>>
        tpu.enqueue_indirect_dma source(%dma_start3A_171 : memref<10240x32xf32, #tpu.memory_space<hbm>>) target(%arg11 : memref<320x32xf32, #tpu.memory_space<vmem>>) offsets(%dma_start3A_168 : memref<320xi32, #tpu.memory_space<vmem>>) semaphore(%arg19 : memref<!tpu.dma_semaphore, #tpu.memory_space<semaphore_mem>>)
        %mul3A_172 = arith.constant 327680 : i32
        %mul3A_173 = arith.muli %add3A, %mul3A_172 : i32
        %mul3A_174 = arith.constant 10240 : i32
        %mul3A_175 = arith.muli %add3A_120, %mul3A_174 : i32
        %add3A_176 = arith.addi %mul3A_173, %mul3A_175 : i32
        %dma_start3A_177 = tpu.memref_slice %arg5[%add3A_176] : memref<10240000xf32, #tpu.memory_space<hbm>> -> memref<10240xf32, #tpu.memory_space<hbm>>
        %dma_start3A_178 = tpu.memref_slice %arg5[%add3A_176] : memref<10240000xf32, #tpu.memory_space<hbm>> -> memref<10240xf32, #tpu.memory_space<hbm>>
        tpu.enqueue_dma source(%dma_start3A_178 : memref<10240xf32, #tpu.memory_space<hbm>>) target(%arg13 : memref<10240xf32, #tpu.memory_space<vmem>>) target_semaphore(%arg21 : memref<!tpu.dma_semaphore, #tpu.memory_space<semaphore_mem>>)
      } else {
      }
      %dma_wait3A_125 = arith.constant 0 : i32
      %dma_wait3A_126 = tpu.memref_slice %arg7[%add3A_118, %dma_wait3A_125] : memref<32x320xi32, #tpu.memory_space<vmem>> -> memref<1x320xi32, #tpu.memory_space<vmem>>
      %dma_wait3A_127 = tpu.memref_squeeze %dma_wait3A_126 : memref<1x320xi32, #tpu.memory_space<vmem>> -> memref<320xi32, #tpu.memory_space<vmem>>
      %dma_wait3A_128 = arith.constant 0 : i32
      %dma_wait3A_129 = arith.constant 0 : i32
      %dma_wait3A_130 = tpu.memref_slice %arg3[%dma_wait3A_128, %dma_wait3A_129] : memref<10240x32xf32, #tpu.memory_space<hbm>> -> memref<10240x32xf32, #tpu.memory_space<hbm>>
      tpu.wait_indirect_dma semaphore(%arg18 : memref<!tpu.dma_semaphore, #tpu.memory_space<semaphore_mem>>) src(%dma_wait3A_130 : memref<10240x32xf32, #tpu.memory_space<hbm>>) dst(%arg10 : memref<320x32xf32, #tpu.memory_space<vmem>>)
      %dma_wait3A_131 = arith.constant 0 : i32
      %dma_wait3A_132 = tpu.memref_slice %arg8[%add3A_118, %dma_wait3A_131] : memref<32x320xi32, #tpu.memory_space<vmem>> -> memref<1x320xi32, #tpu.memory_space<vmem>>
      %dma_wait3A_133 = tpu.memref_squeeze %dma_wait3A_132 : memref<1x320xi32, #tpu.memory_space<vmem>> -> memref<320xi32, #tpu.memory_space<vmem>>
      %dma_wait3A_134 = arith.constant 0 : i32
      %dma_wait3A_135 = arith.constant 0 : i32
      %dma_wait3A_136 = tpu.memref_slice %arg4[%dma_wait3A_134, %dma_wait3A_135] : memref<10240x32xf32, #tpu.memory_space<hbm>> -> memref<10240x32xf32, #tpu.memory_space<hbm>>
      tpu.wait_indirect_dma semaphore(%arg20 : memref<!tpu.dma_semaphore, #tpu.memory_space<semaphore_mem>>) src(%dma_wait3A_136 : memref<10240x32xf32, #tpu.memory_space<hbm>>) dst(%arg12 : memref<320x32xf32, #tpu.memory_space<vmem>>)
      %mul3A_137 = arith.constant 327680 : i32
      %mul3A_138 = arith.muli %add3A, %mul3A_137 : i32
      %mul3A_139 = arith.constant 10240 : i32
      %mul3A_140 = arith.muli %add3A_118, %mul3A_139 : i32
      %add3A_141 = arith.addi %mul3A_138, %mul3A_140 : i32
      %dma_wait3A_142 = tpu.memref_slice %arg5[%add3A_141] : memref<10240000xf32, #tpu.memory_space<hbm>> -> memref<10240xf32, #tpu.memory_space<hbm>>
      %dma_wait3A_143 = tpu.memref_slice %arg5[%add3A_141] : memref<10240000xf32, #tpu.memory_space<hbm>> -> memref<10240xf32, #tpu.memory_space<hbm>>
      tpu.wait_dma2 semaphore(%arg22 : memref<!tpu.dma_semaphore, #tpu.memory_space<semaphore_mem>>) src(%dma_wait3A_143 : memref<10240xf32, #tpu.memory_space<hbm>>) dst(%arg14 : memref<10240xf32, #tpu.memory_space<vmem>>)
      %scan3A_144 = arith.constant 0 : i32
      %scan3A_145 = arith.constant 0 : i32
      %scan3A_146 = arith.constant 80 : i32
      %scan3A_147 = arith.addi %scan3A_145, %scan3A_146 : i32
      %scan3A_148 = arith.constant 1 : i32
      scf.for %scan3A_156 = %scan3A_145 to %scan3A_147 step %scan3A_148  : i32 {
        %add3A_157 = arith.constant 0 : i32
        %add3A_158 = arith.addi %add3A_157, %scan3A_156 : i32
        %get3A = arith.index_cast %add3A_158 : i32 to index
        %get3A_159 = arith.constant 0 : index
        %get3A_160 = tpu.vector_load %arg10[%get3A, %get3A_159] {strides = array<i32>} : memref<320x32xf32, #tpu.memory_space<vmem>>, vector<1x16xf32>,
        %get3A_161 = vector.shape_cast %get3A_160 : vector<1x16xf32> to vector<16xf32>
        %get3A_162 = arith.index_cast %add3A_158 : i32 to index
        %get3A_163 = arith.constant 0 : index
        %get3A_164 = tpu.vector_load %arg12[%get3A_162, %get3A_163] {strides = array<i32>} : memref<320x32xf32, #tpu.memory_space<vmem>>, vector<1x16xf32>,
        %get3A_165 = vector.shape_cast %get3A_164 : vector<1x16xf32> to vector<16xf32>
        %add3A_166 = arith.addf %get3A_161, %get3A_165 : vector<16xf32>
        %mul3A_167 = arith.constant 128 : i32
        %mul3A_168 = arith.muli %scan3A_156, %mul3A_167 : i32
        %add3A_169 = arith.constant 0 : i32
        %add3A_170 = arith.addi %mul3A_168, %add3A_169 : i32
        %add3A_171 = arith.constant 0 : i32
        %add3A_172 = arith.addi %add3A_170, %add3A_171 : i32
        %get3A_173 = arith.index_cast %add3A_172 : i32 to index
        %get3A_174 = tpu.vector_load %arg14[%get3A_173] {strides = array<i32>} : memref<10240xf32, #tpu.memory_space<vmem>>, vector<16xf32>,
        %get3A_175 = vector.shape_cast %get3A_174 : vector<16xf32> to vector<16xf32>
        %add3A_176 = arith.addf %add3A_166, %get3A_175 : vector<16xf32>
        %max3A = arith.constant 0.000000e+00 : f32
        %max3A_177 = vector.broadcast %max3A : f32 to vector<16xf32>
        %max3A_178 = arith.maximumf %add3A_176, %max3A_177 : vector<16xf32>
        %swap3A = arith.index_cast %add3A_158 : i32 to index
        %swap3A_179 = arith.constant 0 : index
        %swap3A_180 = tpu.vector_load %arg10[%swap3A, %swap3A_179] {strides = array<i32>} : memref<320x32xf32, #tpu.memory_space<vmem>>, vector<1x16xf32>,
        %swap3A_181 = vector.shape_cast %swap3A_180 : vector<1x16xf32> to vector<16xf32>
        %swap3A_182 = vector.shape_cast %max3A_178 : vector<16xf32> to vector<1x16xf32>
        tpu.vector_store %arg10[%swap3A, %swap3A_179], %swap3A_182 {strides = array<i32>} : memref<320x32xf32, #tpu.memory_space<vmem>>, vector<1x16xf32>,
        %add3A_183 = arith.constant 0 : i32
        %add3A_184 = arith.addi %add3A_183, %scan3A_156 : i32
        %get3A_185 = arith.index_cast %add3A_184 : i32 to index
        %get3A_186 = arith.constant 16 : index
        %get3A_187 = tpu.vector_load %arg10[%get3A_185, %get3A_186] {strides = array<i32>} : memref<320x32xf32, #tpu.memory_space<vmem>>, vector<1x16xf32>,
        %get3A_188 = vector.shape_cast %get3A_187 : vector<1x16xf32> to vector<16xf32>
        %get3A_189 = arith.index_cast %add3A_184 : i32 to index
        %get3A_190 = arith.constant 16 : index
        %get3A_191 = tpu.vector_load %arg12[%get3A_189, %get3A_190] {strides = array<i32>} : memref<320x32xf32, #tpu.memory_space<vmem>>, vector<1x16xf32>,
        %get3A_192 = vector.shape_cast %get3A_191 : vector<1x16xf32> to vector<16xf32>
        %add3A_193 = arith.addf %get3A_188, %get3A_192 : vector<16xf32>
        %mul3A_194 = arith.constant 128 : i32
        %mul3A_195 = arith.muli %scan3A_156, %mul3A_194 : i32
        %add3A_196 = arith.constant 0 : i32
        %add3A_197 = arith.addi %mul3A_195, %add3A_196 : i32
        %add3A_198 = arith.constant 16 : i32
        %add3A_199 = arith.addi %add3A_197, %add3A_198 : i32
        %get3A_200 = arith.index_cast %add3A_199 : i32 to index
        %get3A_201 = tpu.vector_load %arg14[%get3A_200] {strides = array<i32>} : memref<10240xf32, #tpu.memory_space<vmem>>, vector<16xf32>,
        %get3A_202 = vector.shape_cast %get3A_201 : vector<16xf32> to vector<16xf32>
        %add3A_203 = arith.addf %add3A_193, %get3A_202 : vector<16xf32>
        %max3A_204 = arith.constant 0.000000e+00 : f32
        %max3A_205 = vector.broadcast %max3A_204 : f32 to vector<16xf32>
        %max3A_206 = arith.maximumf %add3A_203, %max3A_205 : vector<16xf32>
        %swap3A_207 = arith.index_cast %add3A_184 : i32 to index
        %swap3A_208 = arith.constant 16 : index
        %swap3A_209 = tpu.vector_load %arg10[%swap3A_207, %swap3A_208] {strides = array<i32>} : memref<320x32xf32, #tpu.memory_space<vmem>>, vector<1x16xf32>,
        %swap3A_210 = vector.shape_cast %swap3A_209 : vector<1x16xf32> to vector<16xf32>
        %swap3A_211 = vector.shape_cast %max3A_206 : vector<16xf32> to vector<1x16xf32>
        tpu.vector_store %arg10[%swap3A_207, %swap3A_208], %swap3A_211 {strides = array<i32>} : memref<320x32xf32, #tpu.memory_space<vmem>>, vector<1x16xf32>,
        %add3A_212 = arith.constant 80 : i32
        %add3A_213 = arith.addi %add3A_212, %scan3A_156 : i32
        %get3A_214 = arith.index_cast %add3A_213 : i32 to index
        %get3A_215 = arith.constant 0 : index
        %get3A_216 = tpu.vector_load %arg10[%get3A_214, %get3A_215] {strides = array<i32>} : memref<320x32xf32, #tpu.memory_space<vmem>>, vector<1x16xf32>,
        %get3A_217 = vector.shape_cast %get3A_216 : vector<1x16xf32> to vector<16xf32>
        %get3A_218 = arith.index_cast %add3A_213 : i32 to index
        %get3A_219 = arith.constant 0 : index
        %get3A_220 = tpu.vector_load %arg12[%get3A_218, %get3A_219] {strides = array<i32>} : memref<320x32xf32, #tpu.memory_space<vmem>>, vector<1x16xf32>,
        %get3A_221 = vector.shape_cast %get3A_220 : vector<1x16xf32> to vector<16xf32>
        %add3A_222 = arith.addf %get3A_217, %get3A_221 : vector<16xf32>
        %mul3A_223 = arith.constant 128 : i32
        %mul3A_224 = arith.muli %scan3A_156, %mul3A_223 : i32
        %add3A_225 = arith.constant 32 : i32
        %add3A_226 = arith.addi %mul3A_224, %add3A_225 : i32
        %add3A_227 = arith.constant 0 : i32
        %add3A_228 = arith.addi %add3A_226, %add3A_227 : i32
        %get3A_229 = arith.index_cast %add3A_228 : i32 to index
        %get3A_230 = tpu.vector_load %arg14[%get3A_229] {strides = array<i32>} : memref<10240xf32, #tpu.memory_space<vmem>>, vector<16xf32>,
        %get3A_231 = vector.shape_cast %get3A_230 : vector<16xf32> to vector<16xf32>
        %add3A_232 = arith.addf %add3A_222, %get3A_231 : vector<16xf32>
        %max3A_233 = arith.constant 0.000000e+00 : f32
        %max3A_234 = vector.broadcast %max3A_233 : f32 to vector<16xf32>
        %max3A_235 = arith.maximumf %add3A_232, %max3A_234 : vector<16xf32>
        %swap3A_236 = arith.index_cast %add3A_213 : i32 to index
        %swap3A_237 = arith.constant 0 : index
        %swap3A_238 = tpu.vector_load %arg10[%swap3A_236, %swap3A_237] {strides = array<i32>} : memref<320x32xf32, #tpu.memory_space<vmem>>, vector<1x16xf32>,
        %swap3A_239 = vector.shape_cast %swap3A_238 : vector<1x16xf32> to vector<16xf32>
        %swap3A_240 = vector.shape_cast %max3A_235 : vector<16xf32> to vector<1x16xf32>
        tpu.vector_store %arg10[%swap3A_236, %swap3A_237], %swap3A_240 {strides = array<i32>} : memref<320x32xf32, #tpu.memory_space<vmem>>, vector<1x16xf32>,
        %add3A_241 = arith.constant 80 : i32
        %add3A_242 = arith.addi %add3A_241, %scan3A_156 : i32
        %get3A_243 = arith.index_cast %add3A_242 : i32 to index
        %get3A_244 = arith.constant 16 : index
        %get3A_245 = tpu.vector_load %arg10[%get3A_243, %get3A_244] {strides = array<i32>} : memref<320x32xf32, #tpu.memory_space<vmem>>, vector<1x16xf32>,
        %get3A_246 = vector.shape_cast %get3A_245 : vector<1x16xf32> to vector<16xf32>
        %get3A_247 = arith.index_cast %add3A_242 : i32 to index
        %get3A_248 = arith.constant 16 : index
        %get3A_249 = tpu.vector_load %arg12[%get3A_247, %get3A_248] {strides = array<i32>} : memref<320x32xf32, #tpu.memory_space<vmem>>, vector<1x16xf32>,
        %get3A_250 = vector.shape_cast %get3A_249 : vector<1x16xf32> to vector<16xf32>
        %add3A_251 = arith.addf %get3A_246, %get3A_250 : vector<16xf32>
        %mul3A_252 = arith.constant 128 : i32
        %mul3A_253 = arith.muli %scan3A_156, %mul3A_252 : i32
        %add3A_254 = arith.constant 32 : i32
        %add3A_255 = arith.addi %mul3A_253, %add3A_254 : i32
        %add3A_256 = arith.constant 16 : i32
        %add3A_257 = arith.addi %add3A_255, %add3A_256 : i32
        %get3A_258 = arith.index_cast %add3A_257 : i32 to index
        %get3A_259 = tpu.vector_load %arg14[%get3A_258] {strides = array<i32>} : memref<10240xf32, #tpu.memory_space<vmem>>, vector<16xf32>,
        %get3A_260 = vector.shape_cast %get3A_259 : vector<16xf32> to vector<16xf32>
        %add3A_261 = arith.addf %add3A_251, %get3A_260 : vector<16xf32>
        %max3A_262 = arith.constant 0.000000e+00 : f32
        %max3A_263 = vector.broadcast %max3A_262 : f32 to vector<16xf32>
        %max3A_264 = arith.maximumf %add3A_261, %max3A_263 : vector<16xf32>
        %swap3A_265 = arith.index_cast %add3A_242 : i32 to index
        %swap3A_266 = arith.constant 16 : index
        %swap3A_267 = tpu.vector_load %arg10[%swap3A_265, %swap3A_266] {strides = array<i32>} : memref<320x32xf32, #tpu.memory_space<vmem>>, vector<1x16xf32>,
        %swap3A_268 = vector.shape_cast %swap3A_267 : vector<1x16xf32> to vector<16xf32>
        %swap3A_269 = vector.shape_cast %max3A_264 : vector<16xf32> to vector<1x16xf32>
        tpu.vector_store %arg10[%swap3A_265, %swap3A_266], %swap3A_269 {strides = array<i32>} : memref<320x32xf32, #tpu.memory_space<vmem>>, vector<1x16xf32>,
        %add3A_270 = arith.constant 160 : i32
        %add3A_271 = arith.addi %add3A_270, %scan3A_156 : i32
        %get3A_272 = arith.index_cast %add3A_271 : i32 to index
        %get3A_273 = arith.constant 0 : index
        %get3A_274 = tpu.vector_load %arg10[%get3A_272, %get3A_273] {strides = array<i32>} : memref<320x32xf32, #tpu.memory_space<vmem>>, vector<1x16xf32>,
        %get3A_275 = vector.shape_cast %get3A_274 : vector<1x16xf32> to vector<16xf32>
        %get3A_276 = arith.index_cast %add3A_271 : i32 to index
        %get3A_277 = arith.constant 0 : index
        %get3A_278 = tpu.vector_load %arg12[%get3A_276, %get3A_277] {strides = array<i32>} : memref<320x32xf32, #tpu.memory_space<vmem>>, vector<1x16xf32>,
        %get3A_279 = vector.shape_cast %get3A_278 : vector<1x16xf32> to vector<16xf32>
        %add3A_280 = arith.addf %get3A_275, %get3A_279 : vector<16xf32>
        %mul3A_281 = arith.constant 128 : i32
        %mul3A_282 = arith.muli %scan3A_156, %mul3A_281 : i32
        %add3A_283 = arith.constant 64 : i32
        %add3A_284 = arith.addi %mul3A_282, %add3A_283 : i32
        %add3A_285 = arith.constant 0 : i32
        %add3A_286 = arith.addi %add3A_284, %add3A_285 : i32
        %get3A_287 = arith.index_cast %add3A_286 : i32 to index
        %get3A_288 = tpu.vector_load %arg14[%get3A_287] {strides = array<i32>} : memref<10240xf32, #tpu.memory_space<vmem>>, vector<16xf32>,
        %get3A_289 = vector.shape_cast %get3A_288 : vector<16xf32> to vector<16xf32>
        %add3A_290 = arith.addf %add3A_280, %get3A_289 : vector<16xf32>
        %max3A_291 = arith.constant 0.000000e+00 : f32
        %max3A_292 = vector.broadcast %max3A_291 : f32 to vector<16xf32>
        %max3A_293 = arith.maximumf %add3A_290, %max3A_292 : vector<16xf32>
        %swap3A_294 = arith.index_cast %add3A_271 : i32 to index
        %swap3A_295 = arith.constant 0 : index
        %swap3A_296 = tpu.vector_load %arg10[%swap3A_294, %swap3A_295] {strides = array<i32>} : memref<320x32xf32, #tpu.memory_space<vmem>>, vector<1x16xf32>,
        %swap3A_297 = vector.shape_cast %swap3A_296 : vector<1x16xf32> to vector<16xf32>
        %swap3A_298 = vector.shape_cast %max3A_293 : vector<16xf32> to vector<1x16xf32>
        tpu.vector_store %arg10[%swap3A_294, %swap3A_295], %swap3A_298 {strides = array<i32>} : memref<320x32xf32, #tpu.memory_space<vmem>>, vector<1x16xf32>,
        %add3A_299 = arith.constant 160 : i32
        %add3A_300 = arith.addi %add3A_299, %scan3A_156 : i32
        %get3A_301 = arith.index_cast %add3A_300 : i32 to index
        %get3A_302 = arith.constant 16 : index
        %get3A_303 = tpu.vector_load %arg10[%get3A_301, %get3A_302] {strides = array<i32>} : memref<320x32xf32, #tpu.memory_space<vmem>>, vector<1x16xf32>,
        %get3A_304 = vector.shape_cast %get3A_303 : vector<1x16xf32> to vector<16xf32>
        %get3A_305 = arith.index_cast %add3A_300 : i32 to index
        %get3A_306 = arith.constant 16 : index
        %get3A_307 = tpu.vector_load %arg12[%get3A_305, %get3A_306] {strides = array<i32>} : memref<320x32xf32, #tpu.memory_space<vmem>>, vector<1x16xf32>,
        %get3A_308 = vector.shape_cast %get3A_307 : vector<1x16xf32> to vector<16xf32>
        %add3A_309 = arith.addf %get3A_304, %get3A_308 : vector<16xf32>
        %mul3A_310 = arith.constant 128 : i32
        %mul3A_311 = arith.muli %scan3A_156, %mul3A_310 : i32
        %add3A_312 = arith.constant 64 : i32
        %add3A_313 = arith.addi %mul3A_311, %add3A_312 : i32
        %add3A_314 = arith.constant 16 : i32
        %add3A_315 = arith.addi %add3A_313, %add3A_314 : i32
        %get3A_316 = arith.index_cast %add3A_315 : i32 to index
        %get3A_317 = tpu.vector_load %arg14[%get3A_316] {strides = array<i32>} : memref<10240xf32, #tpu.memory_space<vmem>>, vector<16xf32>,
        %get3A_318 = vector.shape_cast %get3A_317 : vector<16xf32> to vector<16xf32>
        %add3A_319 = arith.addf %add3A_309, %get3A_318 : vector<16xf32>
        %max3A_320 = arith.constant 0.000000e+00 : f32
        %max3A_321 = vector.broadcast %max3A_320 : f32 to vector<16xf32>
        %max3A_322 = arith.maximumf %add3A_319, %max3A_321 : vector<16xf32>
        %swap3A_323 = arith.index_cast %add3A_300 : i32 to index
        %swap3A_324 = arith.constant 16 : index
        %swap3A_325 = tpu.vector_load %arg10[%swap3A_323, %swap3A_324] {strides = array<i32>} : memref<320x32xf32, #tpu.memory_space<vmem>>, vector<1x16xf32>,
        %swap3A_326 = vector.shape_cast %swap3A_325 : vector<1x16xf32> to vector<16xf32>
        %swap3A_327 = vector.shape_cast %max3A_322 : vector<16xf32> to vector<1x16xf32>
        tpu.vector_store %arg10[%swap3A_323, %swap3A_324], %swap3A_327 {strides = array<i32>} : memref<320x32xf32, #tpu.memory_space<vmem>>, vector<1x16xf32>,
        %add3A_328 = arith.constant 240 : i32
        %add3A_329 = arith.addi %add3A_328, %scan3A_156 : i32
        %get3A_330 = arith.index_cast %add3A_329 : i32 to index
        %get3A_331 = arith.constant 0 : index
        %get3A_332 = tpu.vector_load %arg10[%get3A_330, %get3A_331] {strides = array<i32>} : memref<320x32xf32, #tpu.memory_space<vmem>>, vector<1x16xf32>,
        %get3A_333 = vector.shape_cast %get3A_332 : vector<1x16xf32> to vector<16xf32>
        %get3A_334 = arith.index_cast %add3A_329 : i32 to index
        %get3A_335 = arith.constant 0 : index
        %get3A_336 = tpu.vector_load %arg12[%get3A_334, %get3A_335] {strides = array<i32>} : memref<320x32xf32, #tpu.memory_space<vmem>>, vector<1x16xf32>,
        %get3A_337 = vector.shape_cast %get3A_336 : vector<1x16xf32> to vector<16xf32>
        %add3A_338 = arith.addf %get3A_333, %get3A_337 : vector<16xf32>
        %mul3A_339 = arith.constant 128 : i32
        %mul3A_340 = arith.muli %scan3A_156, %mul3A_339 : i32
        %add3A_341 = arith.constant 96 : i32
        %add3A_342 = arith.addi %mul3A_340, %add3A_341 : i32
        %add3A_343 = arith.constant 0 : i32
        %add3A_344 = arith.addi %add3A_342, %add3A_343 : i32
        %get3A_345 = arith.index_cast %add3A_344 : i32 to index
        %get3A_346 = tpu.vector_load %arg14[%get3A_345] {strides = array<i32>} : memref<10240xf32, #tpu.memory_space<vmem>>, vector<16xf32>,
        %get3A_347 = vector.shape_cast %get3A_346 : vector<16xf32> to vector<16xf32>
        %add3A_348 = arith.addf %add3A_338, %get3A_347 : vector<16xf32>
        %max3A_349 = arith.constant 0.000000e+00 : f32
        %max3A_350 = vector.broadcast %max3A_349 : f32 to vector<16xf32>
        %max3A_351 = arith.maximumf %add3A_348, %max3A_350 : vector<16xf32>
        %swap3A_352 = arith.index_cast %add3A_329 : i32 to index
        %swap3A_353 = arith.constant 0 : index
        %swap3A_354 = tpu.vector_load %arg10[%swap3A_352, %swap3A_353] {strides = array<i32>} : memref<320x32xf32, #tpu.memory_space<vmem>>, vector<1x16xf32>,
        %swap3A_355 = vector.shape_cast %swap3A_354 : vector<1x16xf32> to vector<16xf32>
        %swap3A_356 = vector.shape_cast %max3A_351 : vector<16xf32> to vector<1x16xf32>
        tpu.vector_store %arg10[%swap3A_352, %swap3A_353], %swap3A_356 {strides = array<i32>} : memref<320x32xf32, #tpu.memory_space<vmem>>, vector<1x16xf32>,
        %add3A_357 = arith.constant 240 : i32
        %add3A_358 = arith.addi %add3A_357, %scan3A_156 : i32
        %get3A_359 = arith.index_cast %add3A_358 : i32 to index
        %get3A_360 = arith.constant 16 : index
        %get3A_361 = tpu.vector_load %arg10[%get3A_359, %get3A_360] {strides = array<i32>} : memref<320x32xf32, #tpu.memory_space<vmem>>, vector<1x16xf32>,
        %get3A_362 = vector.shape_cast %get3A_361 : vector<1x16xf32> to vector<16xf32>
        %get3A_363 = arith.index_cast %add3A_358 : i32 to index
        %get3A_364 = arith.constant 16 : index
        %get3A_365 = tpu.vector_load %arg12[%get3A_363, %get3A_364] {strides = array<i32>} : memref<320x32xf32, #tpu.memory_space<vmem>>, vector<1x16xf32>,
        %get3A_366 = vector.shape_cast %get3A_365 : vector<1x16xf32> to vector<16xf32>
        %add3A_367 = arith.addf %get3A_362, %get3A_366 : vector<16xf32>
        %mul3A_368 = arith.constant 128 : i32
        %mul3A_369 = arith.muli %scan3A_156, %mul3A_368 : i32
        %add3A_370 = arith.constant 96 : i32
        %add3A_371 = arith.addi %mul3A_369, %add3A_370 : i32
        %add3A_372 = arith.constant 16 : i32
        %add3A_373 = arith.addi %add3A_371, %add3A_372 : i32
        %get3A_374 = arith.index_cast %add3A_373 : i32 to index
        %get3A_375 = tpu.vector_load %arg14[%get3A_374] {strides = array<i32>} : memref<10240xf32, #tpu.memory_space<vmem>>, vector<16xf32>,
        %get3A_376 = vector.shape_cast %get3A_375 : vector<16xf32> to vector<16xf32>
        %add3A_377 = arith.addf %add3A_367, %get3A_376 : vector<16xf32>
        %max3A_378 = arith.constant 0.000000e+00 : f32
        %max3A_379 = vector.broadcast %max3A_378 : f32 to vector<16xf32>
        %max3A_380 = arith.maximumf %add3A_377, %max3A_379 : vector<16xf32>
        %swap3A_381 = arith.index_cast %add3A_358 : i32 to index
        %swap3A_382 = arith.constant 16 : index
        %swap3A_383 = tpu.vector_load %arg10[%swap3A_381, %swap3A_382] {strides = array<i32>} : memref<320x32xf32, #tpu.memory_space<vmem>>, vector<1x16xf32>,
        %swap3A_384 = vector.shape_cast %swap3A_383 : vector<1x16xf32> to vector<16xf32>
        %swap3A_385 = vector.shape_cast %max3A_380 : vector<16xf32> to vector<1x16xf32>
        tpu.vector_store %arg10[%swap3A_381, %swap3A_382], %swap3A_385 {strides = array<i32>} : memref<320x32xf32, #tpu.memory_space<vmem>>, vector<1x16xf32>,
      }
      %scan3A_149 = arith.constant 80 : i32
      %dma_start3A_150 = arith.constant 0 : i32
      %dma_start3A_151 = tpu.memref_slice %arg7[%add3A_118, %dma_start3A_150] : memref<32x320xi32, #tpu.memory_space<vmem>> -> memref<1x320xi32, #tpu.memory_space<vmem>>
      %dma_start3A_152 = tpu.memref_squeeze %dma_start3A_151 : memref<1x320xi32, #tpu.memory_space<vmem>> -> memref<320xi32, #tpu.memory_space<vmem>>
      %dma_start3A_153 = arith.constant 0 : i32
      %dma_start3A_154 = arith.constant 0 : i32
      %dma_start3A_155 = tpu.memref_slice %arg16[%dma_start3A_153, %dma_start3A_154] : memref<10240x32xf32, #tpu.memory_space<vmem_shared>> -> memref<10240x32xf32, #tpu.memory_space<vmem_shared>>
      tpu.enqueue_indirect_dma source(%arg10 : memref<320x32xf32, #tpu.memory_space<vmem>>) target(%dma_start3A_155 : memref<10240x32xf32, #tpu.memory_space<vmem_shared>>) offsets(%dma_start3A_152 : memref<320xi32, #tpu.memory_space<vmem>>) semaphore(%arg24 : memref<!tpu.dma_semaphore, #tpu.memory_space<semaphore_mem>>) {add = true}
    }
    %dma_wait3A = arith.constant 0 : i32
    %dma_wait3A_58 = arith.constant 0 : i32
    %dma_wait3A_59 = tpu.memref_slice %arg7[%dma_wait3A, %dma_wait3A_58] : memref<32x320xi32, #tpu.memory_space<vmem>> -> memref<1x320xi32, #tpu.memory_space<vmem>>
    %dma_wait3A_60 = tpu.memref_squeeze %dma_wait3A_59 : memref<1x320xi32, #tpu.memory_space<vmem>> -> memref<320xi32, #tpu.memory_space<vmem>>
    %dma_wait3A_61 = arith.constant 0 : i32
    %dma_wait3A_62 = arith.constant 0 : i32
    %dma_wait3A_63 = tpu.memref_slice %arg16[%dma_wait3A_61, %dma_wait3A_62] : memref<10240x32xf32, #tpu.memory_space<vmem_shared>> -> memref<10240x32xf32, #tpu.memory_space<vmem_shared>>
    tpu.wait_indirect_dma semaphore(%arg23 : memref<!tpu.dma_semaphore, #tpu.memory_space<semaphore_mem>>) src(%arg9 : memref<320x32xf32, #tpu.memory_space<vmem>>) dst(%dma_wait3A_63 : memref<10240x32xf32, #tpu.memory_space<vmem_shared>>)
    %dma_wait3A_64 = arith.constant 0 : i32
    %dma_wait3A_65 = arith.constant 0 : i32
    %dma_wait3A_66 = tpu.memref_slice %arg7[%dma_wait3A_64, %dma_wait3A_65] : memref<32x320xi32, #tpu.memory_space<vmem>> -> memref<1x320xi32, #tpu.memory_space<vmem>>
    %dma_wait3A_67 = tpu.memref_squeeze %dma_wait3A_66 : memref<1x320xi32, #tpu.memory_space<vmem>> -> memref<320xi32, #tpu.memory_space<vmem>>
    %dma_wait3A_68 = arith.constant 0 : i32
    %dma_wait3A_69 = arith.constant 0 : i32
    %dma_wait3A_70 = tpu.memref_slice %arg16[%dma_wait3A_68, %dma_wait3A_69] : memref<10240x32xf32, #tpu.memory_space<vmem_shared>> -> memref<10240x32xf32, #tpu.memory_space<vmem_shared>>
    tpu.wait_indirect_dma semaphore(%arg24 : memref<!tpu.dma_semaphore, #tpu.memory_space<semaphore_mem>>) src(%arg10 : memref<320x32xf32, #tpu.memory_space<vmem>>) dst(%dma_wait3A_70 : memref<10240x32xf32, #tpu.memory_space<vmem_shared>>)
    %barrier3A_71 = arith.constant 0 : index
    tpu.barrier barrier_id(%barrier3A_71)
    %mul3A_72 = arith.constant 640 : i32
    %mul3A_73 = arith.muli %arg1, %mul3A_72 : i32
    "tpu.region"() ({
      %run_scoped3A = tpu.sem_alloc : memref<!tpu.dma_semaphore, #tpu.memory_space<semaphore_mem>>
      %dma_start3A_76 = arith.constant 0 : i32
      %dma_start3A_77 = tpu.memref_slice %arg16[%mul3A_73, %dma_start3A_76] : memref<10240x32xf32, #tpu.memory_space<vmem_shared>> -> memref<640x32xf32, #tpu.memory_space<vmem_shared>>
      %dma_start3A_78 = arith.constant 0 : i32
      %dma_start3A_79 = tpu.memref_slice %arg16[%mul3A_73, %dma_start3A_78] : memref<10240x32xf32, #tpu.memory_space<vmem_shared>> -> memref<640x32xf32, #tpu.memory_space<vmem_shared>>
      tpu.enqueue_dma source(%dma_start3A_79 : memref<640x32xf32, #tpu.memory_space<vmem_shared>>) target(%arg15 : memref<640x32xf32, #tpu.memory_space<vmem>>) target_semaphore(%run_scoped3A : memref<!tpu.dma_semaphore, #tpu.memory_space<semaphore_mem>>)
      %dma_wait3A_80 = arith.constant 0 : i32
      %dma_wait3A_81 = tpu.memref_slice %arg16[%mul3A_73, %dma_wait3A_80] : memref<10240x32xf32, #tpu.memory_space<vmem_shared>> -> memref<640x32xf32, #tpu.memory_space<vmem_shared>>
      %dma_wait3A_82 = arith.constant 0 : i32
      %dma_wait3A_83 = tpu.memref_slice %arg16[%mul3A_73, %dma_wait3A_82] : memref<10240x32xf32, #tpu.memory_space<vmem_shared>> -> memref<640x32xf32, #tpu.memory_space<vmem_shared>>
      tpu.wait_dma2 semaphore(%run_scoped3A : memref<!tpu.dma_semaphore, #tpu.memory_space<semaphore_mem>>) src(%dma_wait3A_83 : memref<640x32xf32, #tpu.memory_space<vmem_shared>>) dst(%arg15 : memref<640x32xf32, #tpu.memory_space<vmem>>)
      tpu.yield
    }) : () -> ()
    %mul3A_74 = arith.constant 640 : i32
    %mul3A_75 = arith.muli %arg1, %mul3A_74 : i32
    "tpu.region"() ({
      %run_scoped3A = tpu.sem_alloc : memref<!tpu.dma_semaphore, #tpu.memory_space<semaphore_mem>>
      %dma_start3A_76 = arith.constant 0 : i32
      %dma_start3A_77 = tpu.memref_slice %arg6[%arg0, %mul3A_75, %dma_start3A_76] : memref<2x10240x32xf32, #tpu.memory_space<hbm>> -> memref<1x640x32xf32, #tpu.memory_space<hbm>>
      %dma_start3A_78 = tpu.memref_squeeze %dma_start3A_77 : memref<1x640x32xf32, #tpu.memory_space<hbm>> -> memref<640x32xf32, #tpu.memory_space<hbm>>
      %dma_start3A_79 = arith.constant 0 : i32
      %dma_start3A_80 = tpu.memref_slice %arg6[%arg0, %mul3A_75, %dma_start3A_79] : memref<2x10240x32xf32, #tpu.memory_space<hbm>> -> memref<1x640x32xf32, #tpu.memory_space<hbm>>
      %dma_start3A_81 = tpu.memref_squeeze %dma_start3A_80 : memref<1x640x32xf32, #tpu.memory_space<hbm>> -> memref<640x32xf32, #tpu.memory_space<hbm>>
      tpu.enqueue_dma source(%arg15 : memref<640x32xf32, #tpu.memory_space<vmem>>) target(%dma_start3A_81 : memref<640x32xf32, #tpu.memory_space<hbm>>) target_semaphore(%run_scoped3A : memref<!tpu.dma_semaphore, #tpu.memory_space<semaphore_mem>>)
      %dma_wait3A_82 = arith.constant 0 : i32
      %dma_wait3A_83 = tpu.memref_slice %arg6[%arg0, %mul3A_75, %dma_wait3A_82] : memref<2x10240x32xf32, #tpu.memory_space<hbm>> -> memref<1x640x32xf32, #tpu.memory_space<hbm>>
      %dma_wait3A_84 = tpu.memref_squeeze %dma_wait3A_83 : memref<1x640x32xf32, #tpu.memory_space<hbm>> -> memref<640x32xf32, #tpu.memory_space<hbm>>
      %dma_wait3A_85 = arith.constant 0 : i32
      %dma_wait3A_86 = tpu.memref_slice %arg6[%arg0, %mul3A_75, %dma_wait3A_85] : memref<2x10240x32xf32, #tpu.memory_space<hbm>> -> memref<1x640x32xf32, #tpu.memory_space<hbm>>
      %dma_wait3A_87 = tpu.memref_squeeze %dma_wait3A_86 : memref<1x640x32xf32, #tpu.memory_space<hbm>> -> memref<640x32xf32, #tpu.memory_space<hbm>>
      tpu.wait_dma2 semaphore(%run_scoped3A : memref<!tpu.dma_semaphore, #tpu.memory_space<semaphore_mem>>) src(%arg15 : memref<640x32xf32, #tpu.memory_space<vmem>>) dst(%dma_wait3A_87 : memref<640x32xf32, #tpu.memory_space<hbm>>)
      tpu.yield
    }) : () -> ()
    return
  }
}

module attributes {stable_mosaic.version = 14 : i64} {
  func.func @_node_tables_body(%arg0: memref<10240x128xf32, #tpu.memory_space<vmem>>, %arg1: memref<128x18xf32, #tpu.memory_space<vmem>>, %arg2: memref<1x18xf32, #tpu.memory_space<vmem>>, %arg3: memref<18x64xf32, #tpu.memory_space<vmem>>, %arg4: memref<10240x32xf32, #tpu.memory_space<vmem>>, %arg5: memref<10240x32xf32, #tpu.memory_space<vmem>>) attributes {dimension_semantics = [], scalar_prefetch = 0 : i64, scratch_operands = 0 : i64, tpu.core_type = #tpu.core_type<tc>} {
    %get3A = arith.constant 0 : index
    %get3A_0 = arith.constant 0 : index
    %get3A_1 = vector.load %arg0[%get3A, %get3A_0] : memref<10240x128xf32, #tpu.memory_space<vmem>>, vector<10240x128xf32>
    %get3A_2 = arith.constant 0 : index
    %get3A_3 = arith.constant 0 : index
    %get3A_4 = vector.load %arg1[%get3A_2, %get3A_3] : memref<128x18xf32, #tpu.memory_space<vmem>>, vector<128x18xf32>
    %dot_general3A = arith.constant dense<0.000000e+00> : vector<10240x18xf32>
    %dot_general3A_5 = tpu.matmul %get3A_1, %get3A_4, %dot_general3A {dimension_numbers = #tpu.dot_dimension_numbers<[1], [0], [0], [1], [0, 0, 1, 1], [], []>, transpose_lhs_hint = false} : vector<10240x128xf32>, vector<128x18xf32>, vector<10240x18xf32> -> vector<10240x18xf32>
    %get3A_6 = arith.constant 0 : index
    %get3A_7 = arith.constant 0 : index
    %get3A_8 = vector.load %arg2[%get3A_6, %get3A_7] : memref<1x18xf32, #tpu.memory_space<vmem>>, vector<1x18xf32>
    %add3A = vector.broadcast %get3A_8 : vector<1x18xf32> to vector<10240x18xf32>
    %add3A_9 = arith.addf %dot_general3A_5, %add3A : vector<10240x18xf32>
    %get3A_10 = arith.constant 0 : index
    %get3A_11 = arith.constant 0 : index
    %get3A_12 = vector.load %arg3[%get3A_10, %get3A_11] : memref<18x64xf32, #tpu.memory_space<vmem>>, vector<18x64xf32>
    %dot_general3A_13 = arith.constant dense<0.000000e+00> : vector<10240x64xf32>
    %dot_general3A_14 = tpu.matmul %add3A_9, %get3A_12, %dot_general3A_13 {dimension_numbers = #tpu.dot_dimension_numbers<[1], [0], [0], [1], [0, 0, 1, 1], [], []>, transpose_lhs_hint = false} : vector<10240x18xf32>, vector<18x64xf32>, vector<10240x64xf32> -> vector<10240x64xf32>
    %slice3A = vector.extract_strided_slice %dot_general3A_14 {offsets = [0, 0], sizes = [10240, 32], strides = [1, 1]} : vector<10240x64xf32> to vector<10240x32xf32>
    %swap3A = arith.constant 0 : index
    %swap3A_15 = arith.constant 0 : index
    %swap3A_16 = vector.load %arg4[%swap3A, %swap3A_15] : memref<10240x32xf32, #tpu.memory_space<vmem>>, vector<10240x32xf32>
    tpu.vector_store %arg4[%swap3A, %swap3A_15], %slice3A {strides = array<i32>} : memref<10240x32xf32, #tpu.memory_space<vmem>>, vector<10240x32xf32>,
    %slice3A_17 = vector.extract_strided_slice %dot_general3A_14 {offsets = [0, 32], sizes = [10240, 32], strides = [1, 1]} : vector<10240x64xf32> to vector<10240x32xf32>
    %swap3A_18 = arith.constant 0 : index
    %swap3A_19 = arith.constant 0 : index
    %swap3A_20 = vector.load %arg5[%swap3A_18, %swap3A_19] : memref<10240x32xf32, #tpu.memory_space<vmem>>, vector<10240x32xf32>
    tpu.vector_store %arg5[%swap3A_18, %swap3A_19], %slice3A_17 {strides = array<i32>} : memref<10240x32xf32, #tpu.memory_space<vmem>>, vector<10240x32xf32>,
    return
  }
}

module attributes {stable_mosaic.version = 14 : i64} {
  func.func @_edge_table_body(%arg0: i32, %arg1: memref<5000x16xf32, #tpu.memory_space<vmem>>, %arg2: memref<5000x16xf32, #tpu.memory_space<vmem>>, %arg3: memref<5000x16xf32, #tpu.memory_space<vmem>>, %arg4: memref<5000x16xf32, #tpu.memory_space<vmem>>, %arg5: memref<16x32xf32, #tpu.memory_space<vmem>>, %arg6: memref<1x32xf32, #tpu.memory_space<vmem>>, %arg7: memref<5000x128xf32, #tpu.memory_space<vmem>>) attributes {dimension_semantics = [#tpu.dimension_semantics<arbitrary>], iteration_bounds = array<i64: 16>, scalar_prefetch = 0 : i64, scratch_operands = 0 : i64, tpu.core_type = #tpu.core_type<tc>, window_params = [{transform_indices = @transform_0, window_bounds = array<i64: 5000, 16>}, {transform_indices = @transform_1, window_bounds = array<i64: 5000, 16>}, {transform_indices = @transform_2, window_bounds = array<i64: 5000, 16>}, {transform_indices = @transform_3, window_bounds = array<i64: 5000, 16>}, {pipeline_mode = #tpu.pipeline_mode<synchronous>, transform_indices = @transform_4, window_bounds = array<i64: 16, 32>}, {pipeline_mode = #tpu.pipeline_mode<synchronous>, transform_indices = @transform_5, window_bounds = array<i64: 1, 32>}, {transform_indices = @transform_6, window_bounds = array<i64: 5000, 128>}]} {
    %get3A = arith.constant 0 : index
    %get3A_0 = arith.constant 0 : index
    %get3A_1 = vector.load %arg1[%get3A, %get3A_0] : memref<5000x16xf32, #tpu.memory_space<vmem>>, vector<5000x16xf32>
    %get3A_2 = arith.constant 0 : index
    %get3A_3 = arith.constant 0 : index
    %get3A_4 = vector.load %arg5[%get3A_2, %get3A_3] : memref<16x32xf32, #tpu.memory_space<vmem>>, vector<16x32xf32>
    %dot_general3A = arith.constant dense<0.000000e+00> : vector<5000x32xf32>
    %dot_general3A_5 = tpu.matmul %get3A_1, %get3A_4, %dot_general3A {dimension_numbers = #tpu.dot_dimension_numbers<[1], [0], [0], [1], [0, 0, 1, 1], [], []>, transpose_lhs_hint = false} : vector<5000x16xf32>, vector<16x32xf32>, vector<5000x32xf32> -> vector<5000x32xf32>
    %get3A_6 = arith.constant 0 : index
    %get3A_7 = arith.constant 0 : index
    %get3A_8 = vector.load %arg6[%get3A_6, %get3A_7] : memref<1x32xf32, #tpu.memory_space<vmem>>, vector<1x32xf32>
    %add3A = vector.broadcast %get3A_8 : vector<1x32xf32> to vector<5000x32xf32>
    %add3A_9 = arith.addf %dot_general3A_5, %add3A : vector<5000x32xf32>
    %get3A_10 = arith.constant 0 : index
    %get3A_11 = arith.constant 0 : index
    %get3A_12 = vector.load %arg2[%get3A_10, %get3A_11] : memref<5000x16xf32, #tpu.memory_space<vmem>>, vector<5000x16xf32>
    %get3A_13 = arith.constant 0 : index
    %get3A_14 = arith.constant 0 : index
    %get3A_15 = vector.load %arg5[%get3A_13, %get3A_14] : memref<16x32xf32, #tpu.memory_space<vmem>>, vector<16x32xf32>
    %dot_general3A_16 = arith.constant dense<0.000000e+00> : vector<5000x32xf32>
    %dot_general3A_17 = tpu.matmul %get3A_12, %get3A_15, %dot_general3A_16 {dimension_numbers = #tpu.dot_dimension_numbers<[1], [0], [0], [1], [0, 0, 1, 1], [], []>, transpose_lhs_hint = false} : vector<5000x16xf32>, vector<16x32xf32>, vector<5000x32xf32> -> vector<5000x32xf32>
    %get3A_18 = arith.constant 0 : index
    %get3A_19 = arith.constant 0 : index
    %get3A_20 = vector.load %arg6[%get3A_18, %get3A_19] : memref<1x32xf32, #tpu.memory_space<vmem>>, vector<1x32xf32>
    %add3A_21 = vector.broadcast %get3A_20 : vector<1x32xf32> to vector<5000x32xf32>
    %add3A_22 = arith.addf %dot_general3A_17, %add3A_21 : vector<5000x32xf32>
    %get3A_23 = arith.constant 0 : index
    %get3A_24 = arith.constant 0 : index
    %get3A_25 = vector.load %arg3[%get3A_23, %get3A_24] : memref<5000x16xf32, #tpu.memory_space<vmem>>, vector<5000x16xf32>
    %get3A_26 = arith.constant 0 : index
    %get3A_27 = arith.constant 0 : index
    %get3A_28 = vector.load %arg5[%get3A_26, %get3A_27] : memref<16x32xf32, #tpu.memory_space<vmem>>, vector<16x32xf32>
    %dot_general3A_29 = arith.constant dense<0.000000e+00> : vector<5000x32xf32>
    %dot_general3A_30 = tpu.matmul %get3A_25, %get3A_28, %dot_general3A_29 {dimension_numbers = #tpu.dot_dimension_numbers<[1], [0], [0], [1], [0, 0, 1, 1], [], []>, transpose_lhs_hint = false} : vector<5000x16xf32>, vector<16x32xf32>, vector<5000x32xf32> -> vector<5000x32xf32>
    %get3A_31 = arith.constant 0 : index
    %get3A_32 = arith.constant 0 : index
    %get3A_33 = vector.load %arg6[%get3A_31, %get3A_32] : memref<1x32xf32, #tpu.memory_space<vmem>>, vector<1x32xf32>
    %add3A_34 = vector.broadcast %get3A_33 : vector<1x32xf32> to vector<5000x32xf32>
    %add3A_35 = arith.addf %dot_general3A_30, %add3A_34 : vector<5000x32xf32>
    %get3A_36 = arith.constant 0 : index
    %get3A_37 = arith.constant 0 : index
    %get3A_38 = vector.load %arg4[%get3A_36, %get3A_37] : memref<5000x16xf32, #tpu.memory_space<vmem>>, vector<5000x16xf32>
    %get3A_39 = arith.constant 0 : index
    %get3A_40 = arith.constant 0 : index
    %get3A_41 = vector.load %arg5[%get3A_39, %get3A_40] : memref<16x32xf32, #tpu.memory_space<vmem>>, vector<16x32xf32>
    %dot_general3A_42 = arith.constant dense<0.000000e+00> : vector<5000x32xf32>
    %dot_general3A_43 = tpu.matmul %get3A_38, %get3A_41, %dot_general3A_42 {dimension_numbers = #tpu.dot_dimension_numbers<[1], [0], [0], [1], [0, 0, 1, 1], [], []>, transpose_lhs_hint = false} : vector<5000x16xf32>, vector<16x32xf32>, vector<5000x32xf32> -> vector<5000x32xf32>
    %get3A_44 = arith.constant 0 : index
    %get3A_45 = arith.constant 0 : index
    %get3A_46 = vector.load %arg6[%get3A_44, %get3A_45] : memref<1x32xf32, #tpu.memory_space<vmem>>, vector<1x32xf32>
    %add3A_47 = vector.broadcast %get3A_46 : vector<1x32xf32> to vector<5000x32xf32>
    %add3A_48 = arith.addf %dot_general3A_43, %add3A_47 : vector<5000x32xf32>
    %concatenate3A = tpu.concatenate %add3A_9, %add3A_22, %add3A_35, %add3A_48 in 1 : vector<5000x32xf32>, vector<5000x32xf32>, vector<5000x32xf32>, vector<5000x32xf32> -> vector<5000x128xf32>
    %swap3A = arith.constant 0 : index
    %swap3A_49 = arith.constant 0 : index
    %swap3A_50 = vector.load %arg7[%swap3A, %swap3A_49] : memref<5000x128xf32, #tpu.memory_space<vmem>>, vector<5000x128xf32>
    tpu.vector_store %arg7[%swap3A, %swap3A_49], %concatenate3A {strides = array<i32>} : memref<5000x128xf32, #tpu.memory_space<vmem>>, vector<5000x128xf32>,
    return
  }
  func.func @transform_0(%arg0: i32) -> (i32, i32) {
    %add3A = arith.constant 0 : i32
    %add3A_0 = arith.addi %add3A, %arg0 : i32
    %c0_i32 = arith.constant 0 : i32
    %c0_i32_1 = arith.constant 0 : i32
    return %add3A_0, %c0_i32 : i32, i32
  }
  func.func @transform_1(%arg0: i32) -> (i32, i32) {
    %add3A = arith.constant 16 : i32
    %add3A_0 = arith.addi %add3A, %arg0 : i32
    %c0_i32 = arith.constant 0 : i32
    %c0_i32_1 = arith.constant 0 : i32
    return %add3A_0, %c0_i32 : i32, i32
  }
  func.func @transform_2(%arg0: i32) -> (i32, i32) {
    %add3A = arith.constant 32 : i32
    %add3A_0 = arith.addi %add3A, %arg0 : i32
    %c0_i32 = arith.constant 0 : i32
    %c0_i32_1 = arith.constant 0 : i32
    return %add3A_0, %c0_i32 : i32, i32
  }
  func.func @transform_3(%arg0: i32) -> (i32, i32) {
    %add3A = arith.constant 48 : i32
    %add3A_0 = arith.addi %add3A, %arg0 : i32
    %c0_i32 = arith.constant 0 : i32
    %c0_i32_1 = arith.constant 0 : i32
    return %add3A_0, %c0_i32 : i32, i32
  }
  func.func @transform_4(%arg0: i32) -> (i32, i32) {
    %c0_i32 = arith.constant 0 : i32
    %c0_i32_0 = arith.constant 0 : i32
    %c0_i32_1 = arith.constant 0 : i32
    return %c0_i32, %c0_i32_0 : i32, i32
  }
  func.func @transform_5(%arg0: i32) -> (i32, i32) {
    %c0_i32 = arith.constant 0 : i32
    %c0_i32_0 = arith.constant 0 : i32
    %c0_i32_1 = arith.constant 0 : i32
    return %c0_i32, %c0_i32_0 : i32, i32
  }
  func.func @transform_6(%arg0: i32) -> (i32, i32) {
    %c0_i32 = arith.constant 0 : i32
    %c0_i32_0 = arith.constant 0 : i32
    return %arg0, %c0_i32 : i32, i32
  }
}

</mosaic_0001>

<sc_bundles>
// kernel: kernel.5.cloned.1.call-start
scs
__scs_entry_jumppad:
0x0: {  	(pc) =	sbr.rel $0x88, $3  }
0x1: {  	(tag) =	ssettag $0x0;
	lr =	simm.s32 $0x1  }
0x2: {  	[smem:$0x3F91] =	sst lr;
	_ =	strace $0xD0000000  }
0x3: {  	_ = 	snop  }
0x4: {  	_ = 	snop  }
0x5: {  	_ = 	snop  }
0x6: {  	_ = 	snop  }
0x7: {  	_ = 	snop  }
__scs_overlays_trampoline_lowered:
0x8: {  	[smem:$0x3FA0] =	sst s0  }
0x9: {  	[smem:$0x3FA1] =	sst s1  }
0xa: {  	[smem:$0x3FA2] =	sst s2  }
0xb: {  	[smem:$0x3FA3] =	sst s3  }
0xc: {  	[smem:$0x3FA4] =	sst s4  }
0xd: {  	[smem:$0x3FA5] =	sst s5  }
0xe: {  	[smem:$0x3FA6] =	sst s6  }
0xf: {  	[smem:$0x3FA7] =	sst s7  }
0x10: {  	[smem:$0x3FA8] =	sst s8  }
0x11: {  	[smem:$0x3FA9] =	sst s9;
	s0 =	simm.s32 @!p0 $0x0  }
0x12: {  	s1 =	sld [smem:$0x3F8F];
	s0 =	simm.s32 @p0 $0x1  }
0x13: {  	[smem:$0x3FAA] =	sst s0;
	s0 =	simm.s32 @!p1 $0x0  }
0x14: {  	s2 =	sld [smem:$0x3F8E];
	s0 =	simm.s32 @p1 $0x1  }
0x15: {  	[smem:$0x3FAB] =	sst s0;
	s0 =	simm.s32 @!p2 $0x0  }
0x16: {  	s3 =	sld [smem:$0x3FDB];
	s0 =	simm.s32 @p2 $0x1  }
0x17: {  	s4 =	simm.s32 $0x1BF5;
	[smem:$0x3FAD] =	sst s0  }
0x18: {  	s0 =	sld [smem:$0x3F90];
	_ =	swait.ge [sflag:s4], $0x0  }
0x19: {  	s7 =	sld [smem:$0x3F91]  }
0x1a: {  	s8 =	sadd.s32 $0xFFFFE003, lr  }
0x1b: {  	s9 =	sadd.s32 $0xFFFFFEF7, lr;
	s5 =	simm.s32 $0xFFFFFFFF;
	p2 =	slt.u32 s8, $0xFFFFF086  }
0x1c: {  	p1 =	slt.u32 s9, $0xF7A;
	s5 =	simm.s32 @!p2 $0x0  }
0x1d: {  	s5 =	simm.s32 @p1 $0x1;
	p0 =	seq.s32 s7, s2  }
0x1e: {  	s7 =	smul.u32 @!p0 $0xF7A, s2;
	p2 =	seq.s32 @!p0 s5, $0x0  }
0x1f: {  	s9 =	smul.u32 $0xF7A, s1;
	s8 =	simm.s32 @!p0 $0x1BF5;
	p2 =	por !p2, p0  }
0x20: {  	[sflag:s8] =	ssyncset.s32 @!p0 $0xFFFFF086;
	s6 =	sadd.s32 @!p0 s3, s7;
	s7 =	simm.s32 @!p0 $0x108  }
0x21: {  	s3 =	sadd.s32 s3, s9;
	s6 =	sadd.s32 @!p0 $0x88, s6;
	s7 =	simm.s32 @p2 $0x1082  }
0x22: {  	[simem:s7], [sflag:s8] =	dma.local @!p0 [hbm:s6], $0xF7A  }
0x23: {  	s9 =	sor.u32 $0xD0000000, s2;
	s6 =	simm.s32 $0x108;
	_ =	swait.ge @!p0 [sflag:s8], $0x0  }
0x24: {  	s3 =	sadd.s32 $0x88, s3;
	s6 =	simm.s32 @!p1 $0x1082;
	[sflag:s4] =	ssyncset.s32 $0xFFFFF086  }
0x25: {  	[simem:s6], [sflag:s4] =	dma.local [hbm:s3], $0xF7A  }
0x26: {  	[smem:$0x3F91] =	sst s1;
	(tag) =	ssettag s2;
	_ =	strace s9  }
0x27: {  	s1 =	sld [smem:$0x3FA1]  }
0x28: {  	s2 =	sld [smem:$0x3FA2]  }
0x29: {  	s4 =	sld [smem:$0x3FA4]  }
0x2a: {  	p0 =	seq.s32 s5, $0x0;
	s5 =	sld [smem:$0x3FA5]  }
0x2b: {  	s6 =	sld [smem:$0x3FA6]  }
0x2c: {  	s7 =	sld [smem:$0x3FA7]  }
0x2d: {  	s3 =	simm.s32 $0x108;
	s8 =	sld [smem:$0x3FA8]  }
0x2e: {  	s3 =	simm.s32 @!p0 $0x1082;
	s9 =	sld [smem:$0x3FA9]  }
0x2f: {  	lr =	sadd.s32 s0, s3;
	s0 =	sld [smem:$0x3FA0]  }
0x30: {  	s3 =	sld [smem:$0x3FA3]  }
0x31: {  	[smem:$0x3FAC] =	sst s10  }
0x32: {  	s10 =	sld [smem:$0x3FAA];
	_ =	sdelay $0x3  }
0x33: {  	p0 =	seq.s32 s10, $0x1;
	s10 =	sld [smem:$0x3FAC];
	_ =	sdelay $0x3  }
0x34: {  	[smem:$0x3FAC] =	sst s10  }
0x35: {  	s10 =	sld [smem:$0x3FAB];
	_ =	sdelay $0x3  }
0x36: {  	p1 =	seq.s32 s10, $0x1;
	s10 =	sld [smem:$0x3FAC];
	_ =	sdelay $0x3  }
0x37: {  	[smem:$0x3FAC] =	sst s10  }
0x38: {  	s10 =	sld [smem:$0x3FAD]  }
0x39: {  	_ = 	snop;
	(pc) =	sbr.ind lr, $3  }
0x3a: {  	_ = 	snop  }
0x3b: {  	_ = 	snop  }
0x3c: {  	p2 =	seq.s32 s10, $0x1;
	s10 =	sld [smem:$0x3FAC]  }
0x3d: {  	_ =	shalt  }
0x3e: {  	_ =	shalt  }
0x3f: {  	_ =	shalt  }
0x40: {  	_ =	shalt  }
0x41: {  	_ =	shalt  }
0x42: {  	_ =	shalt  }
0x43: {  	_ =	shalt  }
0x44: {  	_ =	shalt  }
0x45: {  	_ =	shalt  }
0x46: {  	_ =	shalt  }
0x47: {  	_ =	shalt  }
0x48: {  	_ =	shalt  }
0x49: {  	_ =	shalt  }
0x4a: {  	_ =	shalt  }
0x4b: {  	_ =	shalt  }
0x4c: {  	_ =	shalt  }
0x4d: {  	_ =	shalt  }
0x4e: {  	_ =	shalt  }
0x4f: {  	_ =	shalt  }
0x50: {  	_ =	shalt  }
0x51: {  	_ =	shalt  }
0x52: {  	_ =	shalt  }
0x53: {  	_ =	shalt  }
0x54: {  	_ =	shalt  }
0x55: {  	_ =	shalt  }
0x56: {  	_ =	shalt  }
0x57: {  	_ =	shalt  }
0x58: {  	_ =	shalt  }
0x59: {  	_ =	shalt  }
0x5a: {  	_ =	shalt  }
0x5b: {  	_ =	shalt  }
0x5c: {  	_ =	shalt  }
0x5d: {  	_ =	shalt  }
0x5e: {  	_ =	shalt  }
0x5f: {  	_ =	shalt  }
0x60: {  	_ =	shalt  }
0x61: {  	_ =	shalt  }
0x62: {  	_ =	shalt  }
0x63: {  	_ =	shalt  }
0x64: {  	_ =	shalt  }
0x65: {  	_ =	shalt  }
0x66: {  	_ =	shalt  }
0x67: {  	_ =	shalt  }
0x68: {  	_ =	shalt  }
0x69: {  	_ =	shalt  }
0x6a: {  	_ =	shalt  }
0x6b: {  	_ =	shalt  }
0x6c: {  	_ =	shalt  }
0x6d: {  	_ =	shalt  }
0x6e: {  	_ =	shalt  }
0x6f: {  	_ =	shalt  }
0x70: {  	_ =	shalt  }
0x71: {  	_ =	shalt  }
0x72: {  	_ =	shalt  }
0x73: {  	_ =	shalt  }
0x74: {  	_ =	shalt  }
0x75: {  	_ =	shalt  }
0x76: {  	_ =	shalt  }
0x77: {  	_ =	shalt  }
0x78: {  	_ =	shalt  }
0x79: {  	_ =	shalt  }
0x7a: {  	_ =	shalt  }
0x7b: {  	_ =	shalt  }
0x7c: {  	_ =	shalt  }
0x7d: {  	_ =	shalt  }
0x7e: {  	_ =	shalt  }
0x7f: {  	_ =	shalt  }
0x80: {  	_ =	shalt  }
0x81: {  	_ =	shalt  }
0x82: {  	_ =	shalt  }
0x83: {  	_ =	shalt  }
0x84: {  	_ =	shalt  }
0x85: {  	_ =	shalt  }
0x86: {  	_ =	shalt  }
0x87: {  	_ =	shalt  }
.Lfunc_end0:
.L_simem_size_0:
called_computation_lowered:
.L_overlay_start_0:
0x88: {  	s2 =	sld [smem:$0x3FD9]  }
0x89: {  	s3 =	sld [smem:$0x3FFE];
	_ =	sdelay $0x1  }
0x8a: {  	s1 =	srdreg.scid  }
0x8b: {  	s0 =	sand.u32 $0x1, s1  }
0x8c: {  	s16 =	sshll.u32 s0, $0xA;
	s2 =	sadd.s32 s3, s2  }
0x8d: {  	s2 =	sadd.s32 s2, s16  }
0x8e: {  	[smem:$0x3FB8] =	sst s2  }
0x8f: {  	_ = 	snop  }
0x90: {  	(tm) =	ssettm $0x1  }
0x91: {  	s17 =	sld [smem:$0x3FFB];
	_ =	sdelay $0x3  }
0x92: {  	_ =	strace s17  }
0x93: {  	s2 =	sld [smem:$0x3FFC];
	_ =	sdelay $0x3  }
0x94: {  	_ =	strace s2  }
0x95: {  	s2 =	sld [smem:$0x3FFD];
	_ =	sdelay $0x3  }
0x96: {  	_ =	strace s2  }
0x97: {  	_ =	strace $0x8FFFFFFF  }
0x98: {  	s18 =	sld [smem:$0x3FDB];
	_ =	sdelay $0x1  }
0x99: {  	s19 =	simm.s32 $_scs_section_size  }
0x9a: {  	s4 =	simm.s32 $_size__tile_overlayer_lowered;
	s5 =	simm.s32 $_tile_overlayer_lowered  }
0x9b: {  	s22 =	simm.s32 $0x1BFF;
	s21 =	sshll.u32 s5, $0x1;
	s2 =	sadd.s32 s19, s18  }
0x9c: {  	s6 =	simm.s32 $0x0;
	s20 =	sshll.u32 s4, $0x1;
	s4 =	sadd.s32 s21, s2  }
0x9d: {  	[timem:s6], [sflag:s22] =	dma.local [hbm:s4], s20  }
0x9e: {  	_ =	swait.ge [sflag:s22], s20  }
0x9f: {  	s3 =	ssub.s32 $0x0, s20;
	[sflag:s22] =	ssyncset.done $0x0  }
0xa0: {  	[sflag:s22] =	ssyncadd.s32 s3;
	_ =	sdelay $0x1  }
0xa1: {  	s23 =	simm.s32 $0x1B8B  }
0xa2: {  	_ =	swait.ge [sflag:s23], $0x1  }
0xa3: {  	[sflag:s23] =	ssyncset.done $0x0  }
0xa4: {  	s25 =	simm.s32 $0x1B8E;
	s24 =	sld [smem:$0x3FFE];
	[sflag:s23] =	ssyncadd.s32 $0xFFFFFFFF  }
0xa5: {  	s26 =	simm.s32 $execute0_lowered;
	[smem:$0x3FD2] =	sst s25  }
0xa6: {  	s4 =	sshll.u32 s26, $0x1;
	_ =	strace $0x80000046;
	[dreg:$0x1] =	wrdreg $0xFFFFFFFF  }
0xa7: {  	s28 =	simm.s32 $_size_execute0_lowered;
	s2 =	sadd.s32 s2, s4;
	[dreg:$0x0] =	wrdreg $0x0  }
0xa8: {  	s4 =	sshll.u32 s28, $0x1;
	[dreg:$0x2] =	wrdreg s2  }
0xa9: {  	[dreg:$0x3] =	wrdreg s4  }
0xaa: {  	[dreg:$0x4] =	wrdreg $0xC0  }
0xab: {  	_ =	task [dreg:s6], $0x5FFFF  }
0xac: {  	[dreg:$0x1] =	wrdreg $0xFFFFFFFF  }
0xad: {  	[dreg:$0x0] =	wrdreg $0x60  }
0xae: {  	[dreg:$0x2] =	wrdreg s24  }
0xaf: {  	[dreg:$0x3] =	wrdreg $0x190000  }
0xb0: {  	[dreg:$0x4] =	wrdreg $0x9  }
0xb1: {  	_ =	task.clear_ibuf [dreg:s6], $0x5FFFF;
	_ =	strace $0x90000046  }
0xb2: {  	s29 =	simm.s32 $0x9;
	_ =	strace $0x80000048  }
0xb3: {  	_ =	swait.ge [sflag:s29], $0x1  }
0xb4: {  	[sflag:s29] =	ssyncadd.s32 $0xFFFFFFFF  }
0xb5: {  	_ =	strace $0x90000048  }
0xb6: {  	_ =	sfence  }
0xb7: {  	s30 =	sld [smem:$0x0];
	_ =	sdelay $0x2  }
0xb8: {  	s31 =	sshll.u32 s1, $0xD;
	s1 =	sshrl.u32 s1, $0x2  }
0xb9: {  	s3 =	sand.u32 $0x4000, s31;
	s1 =	sadd.s32 s1, s30  }
0xba: {  	s0 =	sor.u32 s3, s0;
	s1 =	sshll.u32 s1, $0x11  }
0xbb: {  	s0 =	sor.u32 s1, s0  }
0xbc: {  	s0 =	sadd.s32 $0x8F2B, s0  }
0xbd: {  	[sflag:s0] =	ssyncadd.remote.s32 $0x1  }
0xbe: {  	_ =	sfence.sel $0xFFFF  }
0xbf: {  	[dreg:$0x0] =	wrdreg $0xFFFFFFFF;
	(pc) =	sbr.abs _section_cstart, $3  }
0xc0: {  	[dreg:$0x1] =	wrdreg $0xFFFFFFFF  }
0xc1: {  	_ =	task.clear_ibuf [dreg:s6], $0x2FFFF;
	_ =	strace $0x9FFFFFFF  }
0xc2: {  	(tm) =	ssettm $0x7FFFFFFF  }
0xc3: {  	_ =	shalt  }
tec
execute0_lowered:
.L_overlay_start_1:
0x0: {  	(tag) =	ssettag $0x1  }
0x1: {  	s0 =	rddreg [dreg:$0x0]  }
0x2: {  	s2 =	rddreg [dreg:$0x1]  }
0x3: {  	s3 =	simm.s32 $0x0;
	s1 =	srdreg.scid;
	s9 =	stileid.u32  }
0x4: {  	s18 =	simm.s32 $0x9;
	s19 =	simm.s32 $0x140;
	s20 =	simm.s32 $0x5000  }
0x5: {  	s23 =	simm.s32 $0x14000;
	s28 =	simm.s32 $0x2;
	s29 =	simm.s32 $0x4  }
0x6: {  	s30 =	simm.s32 $0x6;
	s31 =	simm.s32 $0x7800;
	[smem:$0x7FF] =	sst s3  }
0x7: {  	s1 =	sand.u32 $0x1, s1;
	s10 =	smul.u32 $0x5000, s9;
	s11 =	sadd.s32 $0x4F6800, s0  }
0x8: {  	s4 =	sadd.s32 $0xA800, s0;
	s5 =	sadd.s32 $0x800, s0;
	s8 =	sshll.u32 s1, $0x4  }
0x9: {  	s6 =	sadd.s32 $0x50A800, s0;
	s7 =	smul.u32 $0x50000, s1;
	s8 =	sor.u32 s9, s8  }
0xa: {  	_ =	strace $0x80000047;
	s1 =	ssub.s32 $0x2, s1;
	s9 =	smul.u32 $0x2800, s8  }
0xb: {  	s24 =	sshrl.u32 s1, $0x1;
	s7 =	sadd.s32 s10, s7;
	s12 =	smul.u32 $0x500, s8  }
0xc: {  	s1 =	ssub.s32 s1, s24;
	p0 =	seq.s32 s8, $0x1F;
	s8 =	smul.u32 $0x50000, s8  }
0xd: {  	s24 =	simm.s32 $0x1;
	s7 =	sshrl.u32 s7, $0x3;
	s16 =	smax.u32 s1, $0x1  }
0xe: {  	s1 =	simm.s32 $0x0;
	s0 =	sadd.s32 s7, s0;
	s7 =	simm.s32 $0x8  }
0xf: {  	s13 =	sshrl.u32 s9, $0x3;
	s9 =	simm.s32 $0x8;
	s26 =	sshrl.u32 s8, $0x3  }
0x10: {  	s7 =	simm.s32 @!p0 $0x20;
	s13 =	sadd.s32 s11, s13;
	s11 =	sadd.s32 s11, s12  }
0x11: {  	s0 =	sadd.s32 $0x14800, s0;
	[dreg:$0x3] =	wrdreg s11;
	s25 =	sadd.s32 $0xA000, s13  }
0x12: {  	s11 =	sadd.s32 s6, s26;
	s13 =	sadd.s32 s10, s2;
	[dreg:$0x6] =	wrdreg s0  }
0x13: {  	s14 =	sshrl.u32 s7, $0x1;
	s26 =	simm.s32 $0x5;
	[dreg:$0x4] =	wrdreg s25  }
0x14: {  	v0 =	vimm.f32 $0.0e+00;
	s0 =	simm.s32 $0x7;
	[dreg:$0x5] =	wrdreg s11;
	s25 =	simm.s32 $0x3  }
.LBB2_1:
0x15: {  	s10 =	rddreg [dreg:$0x3];
	s11 =	simm.s32 $0x2800  }
0x16: {  	[tilespmem:s11], [sflag:$0x9] =	stream.linear.gather [hbm4b:s10+s3], $0x2800, $0x38;
	[tilespmem:$0x1E000] =	vst v63  }
0x17: {  	_ =	swait.ge [sflag:s18], $0x2800  }
0x18: {  	[sflag:s18] =	ssyncset.done $0x0  }
0x19: {  	s15 =	rddreg [dreg:$0x4];
	[sflag:s18] =	ssyncadd.s32 $0xFFFFD800  }
0x1a: {  	[tilespmem:s3], [sflag:$0x9] =	stream.linear.gather [hbm4b:s15+s3], $0x2800, $0x38;
	[tilespmem:$0x1E000] =	vst v63  }
0x1b: {  	_ =	swait.ge [sflag:s18], $0x2800  }
0x1c: {  	[sflag:s18] =	ssyncset.done $0x0  }
0x1d: {  	[sflag:s18] =	ssyncadd.s32 $0xFFFFD800  }
0x1e: {  	[tilespmem:s20], [sflag:$0x1] =	stream.indirect.gather [hbm4b:s4+s19], $0x20, s3, s19, $0xb8;
	[tilespmem:$0x1E000] =	vst v63  }
0x1f: {  	s17 =	simm.s32 $0xA000;
	s22 =	simm.s32 $0xF000  }
0x20: {  	[tilespmem:s17], [sflag:$0x3] =	stream.indirect.gather [hbm4b:s5+s19], $0x20, s11, s19, $0xb8;
	[tilespmem:$0x1E000] =	vst v63  }
0x21: {  	s10 =	simm.s32 $0x80;
	s21 =	rddreg [dreg:$0x5];
	s11 =	simm.s32 $0x0  }
0x22: {  	[tilespmem:s22], [sflag:$0x5] =	stream.linear.gather [hbm4b:s21+s3], $0x2800, $0x38;
	[tilespmem:$0x1E000] =	vst v63  }
.LBB2_2:
0x23: {  	p0 =	sne.s32 s10, $0x13F80;
	[tilespmem:s11+$0x14000] =	vst v0;
	s12 =	smov.u32 s10;
	s10 =	sadd.s32 $0x80, s10  }
.Ltmp0:
0x24: {  	[tilespmem:s11+$0x14010] =	vst v0;
	(pc) =	sbr.rel @p0 .LBB2_2-.Ltmp0, $2  }
0x25: {  	_ =	sdelay $0x2  }
0x26: {  	s11 =	sshra.s32 s12, $0x2  }
0x27: {  	[tilespmem:s11+$0x14000] =	vst v0  }
0x28: {  	[tilespmem:s11+$0x14010] =	vst v0  }
0x29: {  	[spmem:s13] =	stream.linear.scatter [tilespmem:s23], [sflag:$0x9], $0x5000, $0x38;
	[tilespmem:$0x1E000] =	vst v63  }
0x2a: {  	_ =	swait.ge [sflag:s18], $0x5000  }
0x2b: {  	[sflag:s18] =	ssyncset.done $0x0  }
0x2c: {  	[sflag:s18] =	ssyncadd.s32 $0xFFFFB000  }
0x2d: {  	s21 =	simm.s32 $0x0;
	[bflag:$0x0] =	sbarrier.arrive $0xFFFF  }
.LBB2_4:
0x2e: {  	s22 =	sshllo.u32 s21, $0x1  }
0x2f: {  	p0 =	sge.u32 s22, s7  }
0x30: {  	p1 =	seq.s32 @!p0 s21, $0x0  }
0x31: {  	p1 =	por p1, p0  }
0x32: {  	s10 =	simm.s32 @!p1 $0x8  }
0x33: {  	_ =	swait.ge @!p1 [sflag:s10], $0x2800  }
0x34: {  	s11 =	smul.u32 @!p0 $0x140, s22;
	[sflag:s10] =	ssyncset.done @!p1 $0x0  }
0x35: {  	s12 =	simm.s32 @!p0 $0x7800;
	[sflag:s10] =	ssyncadd.s32 @!p1 $0xFFFFD800;
	s10 =	simm.s32 @!p0 $0x140  }
0x36: {  	[tilespmem:s12], [sflag:$0x2] =	stream.indirect.gather @!p0 [hbm4b:s4+s10], $0x20, s11, s10, $0xb8;
	[tilespmem:$0x1E000] =	vst v63  }
0x37: {  	s15 =	smul.u32 @!p0 $0x2800, s22;
	s11 =	sadd.s32 @!p0 $0x2800, s11;
	s12 =	simm.s32 @!p0 $0xC800  }
0x38: {  	[tilespmem:s12], [sflag:$0x4] =	stream.indirect.gather @!p0 [hbm4b:s5+s10], $0x20, s11, s10, $0xb8;
	[tilespmem:$0x1E000] =	vst v63  }
0x39: {  	s10 =	sadd.s32 @!p0 s8, s15  }
0x3a: {  	s10 =	sshrl.u32 @!p0 s10, $0x3  }
0x3b: {  	s11 =	simm.s32 @!p0 $0x0;
	s12 =	simm.s32 @!p0 $0x11800;
	s10 =	sadd.s32 @!p0 s6, s10  }
0x3c: {  	[tilespmem:s12], [sflag:$0x6] =	stream.linear.gather @!p0 [hbm4b:s10+s11], $0x2800, $0x38;
	[tilespmem:$0x1E000] =	vst v63  }
0x3d: {  	_ =	swait.ge [sflag:s24], $0x2800  }
0x3e: {  	[sflag:s24] =	ssyncset.done $0x0  }
0x3f: {  	[sflag:s24] =	ssyncadd.s32 $0xFFFFD800  }
0x40: {  	_ =	swait.ge [sflag:s25], $0x2800  }
0x41: {  	[sflag:s25] =	ssyncset.done $0x0  }
0x42: {  	[sflag:s25] =	ssyncadd.s32 $0xFFFFD800  }
0x43: {  	_ =	swait.ge [sflag:s26], $0x2800  }
0x44: {  	[sflag:s26] =	ssyncset.done $0x0  }
0x45: {  	s10 =	simm.s32 $0xFFFFF600;
	[sflag:s26] =	ssyncadd.s32 $0xFFFFD800  }
0x46: {  	v1 =	vld [tilespmem:s10+$0xAA00]  }
0x47: {  	v2 =	vld [tilespmem:s10+$0x5A00]  }
0x48: {  	s11 =	simm.s32 $0xF040  }
0x49: {  	v3 =	vld [tilespmem:s11+$0xFFFFFFC0];
	_ =	sdelay $0x2  }
0x4a: {  	v1 =	vadd.f32 v1, v2;
	_ =	sdelay $0x1  }
0x4b: {  	v1 =	vadd.f32 v3, v1  }
0x4c: {  	v2 =	vld [tilespmem:s10+$0xAA10]  }
0x4d: {  	v3 =	vld [tilespmem:s10+$0x5A10];
	v1 =	vmax.f32 v1, $0.0e+00  }
0x4e: {  	[tilespmem:s10+$0x5A00] =	vst v1  }
0x4f: {  	v1 =	vld [tilespmem:s11+$0xFFFFFFD0];
	_ =	sdelay $0x2  }
0x50: {  	v2 =	vadd.f32 v2, v3;
	_ =	sdelay $0x1  }
0x51: {  	v1 =	vadd.f32 v1, v2  }
0x52: {  	v3 =	vld [tilespmem:s10+$0x6400]  }
0x53: {  	v2 =	vld [tilespmem:s10+$0xB400];
	v1 =	vmax.f32 v1, $0.0e+00  }
0x54: {  	[tilespmem:s10+$0x5A10] =	vst v1  }
0x55: {  	v1 =	vld [tilespmem:s11+$0xFFFFFFE0];
	_ =	sdelay $0x2  }
0x56: {  	v2 =	vadd.f32 v2, v3;
	_ =	sdelay $0x1  }
0x57: {  	v1 =	vadd.f32 v1, v2  }
0x58: {  	v3 =	vld [tilespmem:s10+$0x6410]  }
0x59: {  	v2 =	vld [tilespmem:s10+$0xB410];
	v1 =	vmax.f32 v1, $0.0e+00  }
0x5a: {  	[tilespmem:s10+$0x6400] =	vst v1  }
0x5b: {  	v1 =	vld [tilespmem:s11+$0xFFFFFFF0];
	_ =	sdelay $0x2  }
0x5c: {  	v2 =	vadd.f32 v2, v3;
	_ =	sdelay $0x1  }
0x5d: {  	v1 =	vadd.f32 v1, v2  }
0x5e: {  	v3 =	vld [tilespmem:s10+$0x6E00]  }
0x5f: {  	v2 =	vld [tilespmem:s10+$0xBE00];
	v1 =	vmax.f32 v1, $0.0e+00  }
0x60: {  	[tilespmem:s10+$0x6410] =	vst v1  }
0x61: {  	v1 =	vld [tilespmem:s11+$0x0];
	_ =	sdelay $0x2  }
0x62: {  	v2 =	vadd.f32 v2, v3;
	_ =	sdelay $0x1  }
0x63: {  	v1 =	vadd.f32 v1, v2  }
0x64: {  	v3 =	vld [tilespmem:s10+$0x6E10]  }
0x65: {  	v2 =	vld [tilespmem:s10+$0xBE10];
	v1 =	vmax.f32 v1, $0.0e+00  }
0x66: {  	[tilespmem:s10+$0x6E00] =	vst v1  }
0x67: {  	v1 =	vld [tilespmem:s11+$0x10];
	_ =	sdelay $0x2  }
0x68: {  	v2 =	vadd.f32 v2, v3;
	_ =	sdelay $0x1  }
0x69: {  	v1 =	vadd.f32 v1, v2  }
0x6a: {  	v3 =	vld [tilespmem:s10+$0x7800]  }
0x6b: {  	v2 =	vld [tilespmem:s10+$0xC800];
	v1 =	vmax.f32 v1, $0.0e+00  }
0x6c: {  	[tilespmem:s10+$0x6E10] =	vst v1  }
0x6d: {  	v1 =	vld [tilespmem:s11+$0x20];
	_ =	sdelay $0x2  }
0x6e: {  	v2 =	vadd.f32 v2, v3;
	_ =	sdelay $0x1  }
0x6f: {  	v1 =	vadd.f32 v1, v2  }
0x70: {  	v3 =	vld [tilespmem:s10+$0x7810]  }
0x71: {  	v2 =	vld [tilespmem:s10+$0xC810];
	v1 =	vmax.f32 v1, $0.0e+00  }
0x72: {  	[tilespmem:s10+$0x7800] =	vst v1  }
0x73: {  	v1 =	vld [tilespmem:s11+$0x30];
	_ =	sdelay $0x2  }
0x74: {  	v2 =	vadd.f32 v2, v3;
	_ =	sdelay $0x1  }
0x75: {  	s15 =	simm.s32 $0xFFFFF620;
	v2 =	vadd.f32 v1, v2  }
0x76: {  	s17 =	sshll.u32 s21, $0x1;
	s12 =	simm.s32 $0xFFFFD900;
	v1 =	vld [tilespmem:s15+$0xAA00]  }
.LBB2_5:
0x77: {  	p0 =	sne.s32 s12, $0xFFFFFF80;
	v3 =	vld [tilespmem:s15+$0x5A00];
	v2 =	vmax.f32 v2, $0.0e+00  }
0x78: {  	s11 =	sadd.s32 $0x80, s11;
	[tilespmem:s10+$0x7810] =	vst v2;
	s10 =	smov.u32 s15  }
0x79: {  	v2 =	vld [tilespmem:s11+$0xFFFFFFC0];
	_ =	sdelay $0x2  }
0x7a: {  	v1 =	vadd.f32 v1, v3;
	_ =	sdelay $0x1  }
0x7b: {  	v1 =	vadd.f32 v2, v1  }
0x7c: {  	v2 =	vld [tilespmem:s10+$0xAA10]  }
0x7d: {  	v1 =	vmax.f32 v1, $0.0e+00;
	v3 =	vld [tilespmem:s10+$0x5A10]  }
0x7e: {  	[tilespmem:s10+$0x5A00] =	vst v1  }
0x7f: {  	v1 =	vld [tilespmem:s11+$0xFFFFFFD0];
	_ =	sdelay $0x2  }
0x80: {  	v2 =	vadd.f32 v2, v3;
	_ =	sdelay $0x1  }
0x81: {  	v1 =	vadd.f32 v1, v2  }
0x82: {  	v2 =	vld [tilespmem:s10+$0xB400]  }
0x83: {  	v1 =	vmax.f32 v1, $0.0e+00;
	v3 =	vld [tilespmem:s10+$0x6400]  }
0x84: {  	[tilespmem:s10+$0x5A10] =	vst v1  }
0x85: {  	v1 =	vld [tilespmem:s11+$0xFFFFFFE0];
	_ =	sdelay $0x2  }
0x86: {  	v2 =	vadd.f32 v2, v3;
	_ =	sdelay $0x1  }
0x87: {  	v1 =	vadd.f32 v1, v2  }
0x88: {  	v2 =	vld [tilespmem:s10+$0xB410]  }
0x89: {  	v1 =	vmax.f32 v1, $0.0e+00;
	v3 =	vld [tilespmem:s10+$0x6410]  }
0x8a: {  	[tilespmem:s10+$0x6400] =	vst v1  }
0x8b: {  	v1 =	vld [tilespmem:s11+$0xFFFFFFF0];
	_ =	sdelay $0x2  }
0x8c: {  	v2 =	vadd.f32 v2, v3;
	_ =	sdelay $0x1  }
0x8d: {  	v1 =	vadd.f32 v1, v2  }
0x8e: {  	v2 =	vld [tilespmem:s10+$0xBE00]  }
0x8f: {  	v1 =	vmax.f32 v1, $0.0e+00;
	v3 =	vld [tilespmem:s10+$0x6E00]  }
0x90: {  	[tilespmem:s10+$0x6410] =	vst v1  }
0x91: {  	v1 =	vld [tilespmem:s11+$0x0];
	_ =	sdelay $0x2  }
0x92: {  	v2 =	vadd.f32 v2, v3;
	_ =	sdelay $0x1  }
0x93: {  	v1 =	vadd.f32 v1, v2  }
0x94: {  	v2 =	vld [tilespmem:s10+$0xBE10]  }
0x95: {  	v1 =	vmax.f32 v1, $0.0e+00;
	v3 =	vld [tilespmem:s10+$0x6E10]  }
0x96: {  	[tilespmem:s10+$0x6E00] =	vst v1  }
0x97: {  	v1 =	vld [tilespmem:s11+$0x10];
	_ =	sdelay $0x2  }
0x98: {  	v2 =	vadd.f32 v2, v3;
	_ =	sdelay $0x1  }
0x99: {  	v1 =	vadd.f32 v1, v2  }
0x9a: {  	v2 =	vld [tilespmem:s10+$0xC800]  }
0x9b: {  	v1 =	vmax.f32 v1, $0.0e+00;
	v3 =	vld [tilespmem:s10+$0x7800]  }
0x9c: {  	[tilespmem:s10+$0x6E10] =	vst v1  }
0x9d: {  	v1 =	vld [tilespmem:s11+$0x20];
	_ =	sdelay $0x2  }
0x9e: {  	v2 =	vadd.f32 v2, v3;
	_ =	sdelay $0x1  }
0x9f: {  	v1 =	vadd.f32 v1, v2  }
0xa0: {  	v2 =	vld [tilespmem:s10+$0xC810]  }
0xa1: {  	v1 =	vmax.f32 v1, $0.0e+00;
	v3 =	vld [tilespmem:s10+$0x7810]  }
0xa2: {  	[tilespmem:s10+$0x7800] =	vst v1  }
0xa3: {  	v1 =	vld [tilespmem:s11+$0x30];
	_ =	sdelay $0x1  }
.Ltmp1:
0xa4: {  	(pc) =	sbr.rel @p0 .LBB2_5-.Ltmp1, $3  }
0xa5: {  	v2 =	vadd.f32 v2, v3;
	_ =	sdelay $0x1  }
0xa6: {  	s15 =	sshra.s32 s12, $0x2;
	v2 =	vadd.f32 v1, v2  }
0xa7: {  	s12 =	sadd.s32 $0x80, s12;
	v1 =	vld [tilespmem:s15+$0xAA00]  }
0xa8: {  	v3 =	vld [tilespmem:s15+$0x5A00];
	v2 =	vmax.f32 v2, $0.0e+00  }
0xa9: {  	s11 =	sadd.s32 $0x80, s11;
	[tilespmem:s10+$0x7810] =	vst v2  }
0xaa: {  	v2 =	vld [tilespmem:s11+$0xFFFFFFC0];
	_ =	sdelay $0x2  }
0xab: {  	v1 =	vadd.f32 v1, v3;
	_ =	sdelay $0x1  }
0xac: {  	v1 =	vadd.f32 v2, v1  }
0xad: {  	v3 =	vld [tilespmem:s15+$0x5A10]  }
0xae: {  	v2 =	vld [tilespmem:s15+$0xAA10];
	v1 =	vmax.f32 v1, $0.0e+00  }
0xaf: {  	[tilespmem:s15+$0x5A00] =	vst v1  }
0xb0: {  	v1 =	vld [tilespmem:s11+$0xFFFFFFD0];
	_ =	sdelay $0x2  }
0xb1: {  	v2 =	vadd.f32 v2, v3;
	_ =	sdelay $0x1  }
0xb2: {  	v1 =	vadd.f32 v1, v2  }
0xb3: {  	v3 =	vld [tilespmem:s15+$0x6400]  }
0xb4: {  	v2 =	vld [tilespmem:s15+$0xB400];
	v1 =	vmax.f32 v1, $0.0e+00  }
0xb5: {  	[tilespmem:s15+$0x5A10] =	vst v1  }
0xb6: {  	v1 =	vld [tilespmem:s11+$0xFFFFFFE0];
	_ =	sdelay $0x2  }
0xb7: {  	v2 =	vadd.f32 v2, v3;
	_ =	sdelay $0x1  }
0xb8: {  	v1 =	vadd.f32 v1, v2  }
0xb9: {  	v3 =	vld [tilespmem:s15+$0x6410]  }
0xba: {  	v2 =	vld [tilespmem:s15+$0xB410];
	v1 =	vmax.f32 v1, $0.0e+00  }
0xbb: {  	[tilespmem:s15+$0x6400] =	vst v1  }
0xbc: {  	v1 =	vld [tilespmem:s11+$0xFFFFFFF0];
	_ =	sdelay $0x2  }
0xbd: {  	v2 =	vadd.f32 v2, v3;
	_ =	sdelay $0x1  }
0xbe: {  	v1 =	vadd.f32 v1, v2  }
0xbf: {  	v3 =	vld [tilespmem:s15+$0x6E00]  }
0xc0: {  	v2 =	vld [tilespmem:s15+$0xBE00];
	v1 =	vmax.f32 v1, $0.0e+00  }
0xc1: {  	[tilespmem:s15+$0x6410] =	vst v1  }
0xc2: {  	v1 =	vld [tilespmem:s11+$0x0];
	_ =	sdelay $0x2  }
0xc3: {  	v2 =	vadd.f32 v2, v3;
	_ =	sdelay $0x1  }
0xc4: {  	v1 =	vadd.f32 v1, v2  }
0xc5: {  	v3 =	vld [tilespmem:s15+$0x6E10]  }
0xc6: {  	v2 =	vld [tilespmem:s15+$0xBE10];
	v1 =	vmax.f32 v1, $0.0e+00  }
0xc7: {  	[tilespmem:s15+$0x6E00] =	vst v1  }
0xc8: {  	v1 =	vld [tilespmem:s11+$0x10];
	_ =	sdelay $0x2  }
0xc9: {  	v2 =	vadd.f32 v2, v3;
	_ =	sdelay $0x1  }
0xca: {  	v1 =	vadd.f32 v1, v2  }
0xcb: {  	v3 =	vld [tilespmem:s15+$0x7800]  }
0xcc: {  	v2 =	vld [tilespmem:s15+$0xC800];
	v1 =	vmax.f32 v1, $0.0e+00  }
0xcd: {  	[tilespmem:s15+$0x6E10] =	vst v1  }
0xce: {  	v1 =	vld [tilespmem:s11+$0x20];
	_ =	sdelay $0x2  }
0xcf: {  	v2 =	vadd.f32 v2, v3;
	_ =	sdelay $0x1  }
0xd0: {  	v1 =	vadd.f32 v1, v2  }
0xd1: {  	v3 =	vld [tilespmem:s15+$0x7810]  }
0xd2: {  	v2 =	vld [tilespmem:s15+$0xC810];
	v1 =	vmax.f32 v1, $0.0e+00  }
0xd3: {  	[tilespmem:s15+$0x7800] =	vst v1  }
0xd4: {  	v1 =	vld [tilespmem:s11+$0x30];
	_ =	sdelay $0x2  }
0xd5: {  	v2 =	vadd.f32 v2, v3;
	_ =	sdelay $0x1  }
0xd6: {  	v1 =	vadd.f32 v1, v2  }
0xd7: {  	s12 =	smul.u32 $0xA00, s21  }
0xd8: {  	v1 =	vmax.f32 v1, $0.0e+00  }
0xd9: {  	s10 =	sshra.s32 s12, $0x2;
	[tilespmem:s15+$0x7810] =	vst v1  }
0xda: {  	[spmem:s2] =	stream.indirect.scatter.add.f32 [tilespmem:s20], [sflag:$0x7], $0x20, s10, s19, $0xb8;
	[tilespmem:$0x1E000] =	vst v63  }
0xdb: {  	s10 =	sadd.s32 $0x2, s17  }
0xdc: {  	p0 =	sge.u32 s10, s7  }
0xdd: {  	s11 =	simm.s32 @!p0 $0x7;
	s12 =	smul.u32 @!p0 $0x140, s10  }
0xde: {  	s10 =	smul.u32 @!p0 $0x2800, s10;
	_ =	swait.ge @!p0 [sflag:s11], $0x2800  }
0xdf: {  	s15 =	simm.s32 @!p0 $0x5000;
	[sflag:s11] =	ssyncset.done @!p0 $0x0  }
0xe0: {  	s10 =	sadd.s32 @!p0 s8, s10;
	[sflag:s11] =	ssyncadd.s32 @!p0 $0xFFFFD800;
	s11 =	simm.s32 @!p0 $0x140  }
0xe1: {  	[tilespmem:s15], [sflag:$0x1] =	stream.indirect.gather @!p0 [hbm4b:s4+s11], $0x20, s12, s11, $0xb8;
	[tilespmem:$0x1E000] =	vst v63  }
0xe2: {  	s10 =	sshrl.u32 @!p0 s10, $0x3;
	s12 =	sadd.s32 @!p0 $0x2800, s12;
	s15 =	simm.s32 @!p0 $0xA000  }
0xe3: {  	[tilespmem:s15], [sflag:$0x3] =	stream.indirect.gather @!p0 [hbm4b:s5+s11], $0x20, s12, s11, $0xb8;
	[tilespmem:$0x1E000] =	vst v63  }
0xe4: {  	s10 =	sadd.s32 @!p0 s6, s10;
	s11 =	simm.s32 @!p0 $0x0;
	s12 =	simm.s32 @!p0 $0xF000  }
0xe5: {  	[tilespmem:s12], [sflag:$0x5] =	stream.linear.gather @!p0 [hbm4b:s10+s11], $0x2800, $0x38;
	[tilespmem:$0x1E000] =	vst v63  }
0xe6: {  	_ =	swait.ge [sflag:s28], $0x2800  }
0xe7: {  	[sflag:s28] =	ssyncset.done $0x0  }
0xe8: {  	[sflag:s28] =	ssyncadd.s32 $0xFFFFD800  }
0xe9: {  	_ =	swait.ge [sflag:s29], $0x2800  }
0xea: {  	[sflag:s29] =	ssyncset.done $0x0  }
0xeb: {  	[sflag:s29] =	ssyncadd.s32 $0xFFFFD800  }
0xec: {  	_ =	swait.ge [sflag:s30], $0x2800  }
0xed: {  	[sflag:s30] =	ssyncset.done $0x0  }
0xee: {  	s10 =	simm.s32 $0xFFFFF600;
	[sflag:s30] =	ssyncadd.s32 $0xFFFFD800  }
0xef: {  	v1 =	vld [tilespmem:s10+$0xD200]  }
0xf0: {  	v2 =	vld [tilespmem:s10+$0x8200]  }
0xf1: {  	s11 =	simm.s32 $0x11840  }
0xf2: {  	v3 =	vld [tilespmem:s11+$0xFFFFFFC0];
	_ =	sdelay $0x2  }
0xf3: {  	v1 =	vadd.f32 v1, v2;
	_ =	sdelay $0x1  }
0xf4: {  	v1 =	vadd.f32 v3, v1  }
0xf5: {  	v2 =	vld [tilespmem:s10+$0xD210]  }
0xf6: {  	v3 =	vld [tilespmem:s10+$0x8210];
	v1 =	vmax.f32 v1, $0.0e+00  }
0xf7: {  	[tilespmem:s10+$0x8200] =	vst v1  }
0xf8: {  	v1 =	vld [tilespmem:s11+$0xFFFFFFD0];
	_ =	sdelay $0x2  }
0xf9: {  	v2 =	vadd.f32 v2, v3;
	_ =	sdelay $0x1  }
0xfa: {  	v1 =	vadd.f32 v1, v2  }
0xfb: {  	v3 =	vld [tilespmem:s10+$0x8C00]  }
0xfc: {  	v2 =	vld [tilespmem:s10+$0xDC00];
	v1 =	vmax.f32 v1, $0.0e+00  }
0xfd: {  	[tilespmem:s10+$0x8210] =	vst v1  }
0xfe: {  	v1 =	vld [tilespmem:s11+$0xFFFFFFE0];
	_ =	sdelay $0x2  }
0xff: {  	v2 =	vadd.f32 v2, v3;
	_ =	sdelay $0x1  }
0x100: {  	v1 =	vadd.f32 v1, v2  }
0x101: {  	v3 =	vld [tilespmem:s10+$0x8C10]  }
0x102: {  	v2 =	vld [tilespmem:s10+$0xDC10];
	v1 =	vmax.f32 v1, $0.0e+00  }
0x103: {  	[tilespmem:s10+$0x8C00] =	vst v1  }
0x104: {  	v1 =	vld [tilespmem:s11+$0xFFFFFFF0];
	_ =	sdelay $0x2  }
0x105: {  	v2 =	vadd.f32 v2, v3;
	_ =	sdelay $0x1  }
0x106: {  	v1 =	vadd.f32 v1, v2  }
0x107: {  	v3 =	vld [tilespmem:s10+$0x9600]  }
0x108: {  	v2 =	vld [tilespmem:s10+$0xE600];
	v1 =	vmax.f32 v1, $0.0e+00  }
0x109: {  	[tilespmem:s10+$0x8C10] =	vst v1  }
0x10a: {  	v1 =	vld [tilespmem:s11+$0x0];
	_ =	sdelay $0x2  }
0x10b: {  	v2 =	vadd.f32 v2, v3;
	_ =	sdelay $0x1  }
0x10c: {  	v1 =	vadd.f32 v1, v2  }
0x10d: {  	v3 =	vld [tilespmem:s10+$0x9610]  }
0x10e: {  	v2 =	vld [tilespmem:s10+$0xE610];
	v1 =	vmax.f32 v1, $0.0e+00  }
0x10f: {  	[tilespmem:s10+$0x9600] =	vst v1  }
0x110: {  	v1 =	vld [tilespmem:s11+$0x10];
	_ =	sdelay $0x2  }
0x111: {  	v2 =	vadd.f32 v2, v3;
	_ =	sdelay $0x1  }
0x112: {  	v1 =	vadd.f32 v1, v2  }
0x113: {  	v3 =	vld [tilespmem:s10+$0xA000]  }
0x114: {  	v2 =	vld [tilespmem:s10+$0xF000];
	v1 =	vmax.f32 v1, $0.0e+00  }
0x115: {  	[tilespmem:s10+$0x9610] =	vst v1  }
0x116: {  	v1 =	vld [tilespmem:s11+$0x20];
	_ =	sdelay $0x2  }
0x117: {  	v2 =	vadd.f32 v2, v3;
	_ =	sdelay $0x1  }
0x118: {  	v1 =	vadd.f32 v1, v2  }
0x119: {  	v3 =	vld [tilespmem:s10+$0xA010]  }
0x11a: {  	v2 =	vld [tilespmem:s10+$0xF010];
	v1 =	vmax.f32 v1, $0.0e+00  }
0x11b: {  	[tilespmem:s10+$0xA000] =	vst v1  }
0x11c: {  	v1 =	vld [tilespmem:s11+$0x30];
	_ =	sdelay $0x2  }
0x11d: {  	v2 =	vadd.f32 v2, v3;
	_ =	sdelay $0x1  }
0x11e: {  	s15 =	simm.s32 $0xFFFFF620;
	v2 =	vadd.f32 v1, v2  }
0x11f: {  	s12 =	simm.s32 $0xFFFFD900;
	v1 =	vld [tilespmem:s15+$0xD200]  }
.LBB2_7:
0x120: {  	p0 =	sne.s32 s12, $0xFFFFFF80;
	v3 =	vld [tilespmem:s15+$0x8200];
	v2 =	vmax.f32 v2, $0.0e+00  }
0x121: {  	s11 =	sadd.s32 $0x80, s11;
	[tilespmem:s10+$0xA010] =	vst v2;
	s10 =	smov.u32 s15  }
0x122: {  	v2 =	vld [tilespmem:s11+$0xFFFFFFC0];
	_ =	sdelay $0x2  }
0x123: {  	v1 =	vadd.f32 v1, v3;
	_ =	sdelay $0x1  }
0x124: {  	v1 =	vadd.f32 v2, v1  }
0x125: {  	v2 =	vld [tilespmem:s10+$0xD210]  }
0x126: {  	v1 =	vmax.f32 v1, $0.0e+00;
	v3 =	vld [tilespmem:s10+$0x8210]  }
0x127: {  	[tilespmem:s10+$0x8200] =	vst v1  }
0x128: {  	v1 =	vld [tilespmem:s11+$0xFFFFFFD0];
	_ =	sdelay $0x2  }
0x129: {  	v2 =	vadd.f32 v2, v3;
	_ =	sdelay $0x1  }
0x12a: {  	v1 =	vadd.f32 v1, v2  }
0x12b: {  	v2 =	vld [tilespmem:s10+$0xDC00]  }
0x12c: {  	v1 =	vmax.f32 v1, $0.0e+00;
	v3 =	vld [tilespmem:s10+$0x8C00]  }
0x12d: {  	[tilespmem:s10+$0x8210] =	vst v1  }
0x12e: {  	v1 =	vld [tilespmem:s11+$0xFFFFFFE0];
	_ =	sdelay $0x2  }
0x12f: {  	v2 =	vadd.f32 v2, v3;
	_ =	sdelay $0x1  }
0x130: {  	v1 =	vadd.f32 v1, v2  }
0x131: {  	v2 =	vld [tilespmem:s10+$0xDC10]  }
0x132: {  	v1 =	vmax.f32 v1, $0.0e+00;
	v3 =	vld [tilespmem:s10+$0x8C10]  }
0x133: {  	[tilespmem:s10+$0x8C00] =	vst v1  }
0x134: {  	v1 =	vld [tilespmem:s11+$0xFFFFFFF0];
	_ =	sdelay $0x2  }
0x135: {  	v2 =	vadd.f32 v2, v3;
	_ =	sdelay $0x1  }
0x136: {  	v1 =	vadd.f32 v1, v2  }
0x137: {  	v2 =	vld [tilespmem:s10+$0xE600]  }
0x138: {  	v1 =	vmax.f32 v1, $0.0e+00;
	v3 =	vld [tilespmem:s10+$0x9600]  }
0x139: {  	[tilespmem:s10+$0x8C10] =	vst v1  }
0x13a: {  	v1 =	vld [tilespmem:s11+$0x0];
	_ =	sdelay $0x2  }
0x13b: {  	v2 =	vadd.f32 v2, v3;
	_ =	sdelay $0x1  }
0x13c: {  	v1 =	vadd.f32 v1, v2  }
0x13d: {  	v2 =	vld [tilespmem:s10+$0xE610]  }
0x13e: {  	v1 =	vmax.f32 v1, $0.0e+00;
	v3 =	vld [tilespmem:s10+$0x9610]  }
0x13f: {  	[tilespmem:s10+$0x9600] =	vst v1  }
0x140: {  	v1 =	vld [tilespmem:s11+$0x10];
	_ =	sdelay $0x2  }
0x141: {  	v2 =	vadd.f32 v2, v3;
	_ =	sdelay $0x1  }
0x142: {  	v1 =	vadd.f32 v1, v2  }
0x143: {  	v2 =	vld [tilespmem:s10+$0xF000]  }
0x144: {  	v1 =	vmax.f32 v1, $0.0e+00;
	v3 =	vld [tilespmem:s10+$0xA000]  }
0x145: {  	[tilespmem:s10+$0x9610] =	vst v1  }
0x146: {  	v1 =	vld [tilespmem:s11+$0x20];
	_ =	sdelay $0x2  }
0x147: {  	v2 =	vadd.f32 v2, v3;
	_ =	sdelay $0x1  }
0x148: {  	v1 =	vadd.f32 v1, v2  }
0x149: {  	v2 =	vld [tilespmem:s10+$0xF010]  }
0x14a: {  	v1 =	vmax.f32 v1, $0.0e+00;
	v3 =	vld [tilespmem:s10+$0xA010]  }
0x14b: {  	[tilespmem:s10+$0xA000] =	vst v1  }
0x14c: {  	v1 =	vld [tilespmem:s11+$0x30];
	_ =	sdelay $0x1  }
.Ltmp2:
0x14d: {  	(pc) =	sbr.rel @p0 .LBB2_7-.Ltmp2, $3  }
0x14e: {  	v2 =	vadd.f32 v2, v3;
	_ =	sdelay $0x1  }
0x14f: {  	s15 =	sshra.s32 s12, $0x2;
	v2 =	vadd.f32 v1, v2  }
0x150: {  	s12 =	sadd.s32 $0x80, s12;
	v1 =	vld [tilespmem:s15+$0xD200]  }
0x151: {  	v3 =	vld [tilespmem:s15+$0x8200];
	v2 =	vmax.f32 v2, $0.0e+00  }
0x152: {  	s17 =	sadd.s32 $0x80, s11;
	[tilespmem:s10+$0xA010] =	vst v2  }
0x153: {  	v2 =	vld [tilespmem:s17+$0xFFFFFFC0];
	_ =	sdelay $0x2  }
0x154: {  	v1 =	vadd.f32 v1, v3;
	_ =	sdelay $0x1  }
0x155: {  	v1 =	vadd.f32 v2, v1  }
0x156: {  	v3 =	vld [tilespmem:s15+$0x8210]  }
0x157: {  	v2 =	vld [tilespmem:s15+$0xD210];
	v1 =	vmax.f32 v1, $0.0e+00  }
0x158: {  	[tilespmem:s15+$0x8200] =	vst v1  }
0x159: {  	v1 =	vld [tilespmem:s17+$0xFFFFFFD0];
	_ =	sdelay $0x2  }
0x15a: {  	v2 =	vadd.f32 v2, v3;
	_ =	sdelay $0x1  }
0x15b: {  	v1 =	vadd.f32 v1, v2  }
0x15c: {  	v3 =	vld [tilespmem:s15+$0x8C00]  }
0x15d: {  	v2 =	vld [tilespmem:s15+$0xDC00];
	v1 =	vmax.f32 v1, $0.0e+00  }
0x15e: {  	[tilespmem:s15+$0x8210] =	vst v1  }
0x15f: {  	v1 =	vld [tilespmem:s17+$0xFFFFFFE0];
	_ =	sdelay $0x2  }
0x160: {  	v2 =	vadd.f32 v2, v3;
	_ =	sdelay $0x1  }
0x161: {  	v1 =	vadd.f32 v1, v2  }
0x162: {  	v3 =	vld [tilespmem:s15+$0x8C10]  }
0x163: {  	v2 =	vld [tilespmem:s15+$0xDC10];
	v1 =	vmax.f32 v1, $0.0e+00  }
0x164: {  	[tilespmem:s15+$0x8C00] =	vst v1  }
0x165: {  	v1 =	vld [tilespmem:s17+$0xFFFFFFF0];
	_ =	sdelay $0x2  }
0x166: {  	v2 =	vadd.f32 v2, v3;
	_ =	sdelay $0x1  }
0x167: {  	v1 =	vadd.f32 v1, v2  }
0x168: {  	v3 =	vld [tilespmem:s15+$0x9600]  }
0x169: {  	v2 =	vld [tilespmem:s15+$0xE600];
	v1 =	vmax.f32 v1, $0.0e+00  }
0x16a: {  	[tilespmem:s15+$0x8C10] =	vst v1  }
0x16b: {  	v1 =	vld [tilespmem:s17+$0x0];
	_ =	sdelay $0x2  }
0x16c: {  	v2 =	vadd.f32 v2, v3;
	_ =	sdelay $0x1  }
0x16d: {  	v1 =	vadd.f32 v1, v2  }
0x16e: {  	v3 =	vld [tilespmem:s15+$0x9610]  }
0x16f: {  	v2 =	vld [tilespmem:s15+$0xE610];
	v1 =	vmax.f32 v1, $0.0e+00  }
0x170: {  	[tilespmem:s15+$0x9600] =	vst v1  }
0x171: {  	v1 =	vld [tilespmem:s17+$0x10];
	_ =	sdelay $0x2  }
0x172: {  	v2 =	vadd.f32 v2, v3;
	_ =	sdelay $0x1  }
0x173: {  	v1 =	vadd.f32 v1, v2  }
0x174: {  	v3 =	vld [tilespmem:s15+$0xA000]  }
0x175: {  	v2 =	vld [tilespmem:s15+$0xF000];
	v1 =	vmax.f32 v1, $0.0e+00  }
0x176: {  	[tilespmem:s15+$0x9610] =	vst v1  }
0x177: {  	v1 =	vld [tilespmem:s17+$0x20];
	_ =	sdelay $0x2  }
0x178: {  	v2 =	vadd.f32 v2, v3;
	_ =	sdelay $0x1  }
0x179: {  	v1 =	vadd.f32 v1, v2  }
0x17a: {  	v3 =	vld [tilespmem:s15+$0xA010]  }
0x17b: {  	v2 =	vld [tilespmem:s15+$0xF010];
	v1 =	vmax.f32 v1, $0.0e+00  }
0x17c: {  	[tilespmem:s15+$0xA000] =	vst v1  }
0x17d: {  	v1 =	vld [tilespmem:s17+$0x30];
	_ =	sdelay $0x2  }
0x17e: {  	s21 =	sadd.s32 $0x1, s21;
	v2 =	vadd.f32 v2, v3  }
0x17f: {  	p0 =	sne.s32 s21, s14  }
.Ltmp3:
0x180: {  	v1 =	vadd.f32 v1, v2;
	(pc) =	sbr.rel @p0 .LBB2_4-.Ltmp3, $4  }
0x181: {  	s22 =	smul.u32 $0x500, s22  }
0x182: {  	v1 =	vmax.f32 v1, $0.0e+00  }
0x183: {  	s10 =	sshra.s32 s22, $0x2;
	[tilespmem:s15+$0xA010] =	vst v1  }
0x184: {  	[spmem:s2] =	stream.indirect.scatter.add.f32 [tilespmem:s31], [sflag:$0x8], $0x20, s10, s19, $0xb8;
	[tilespmem:$0x1E000] =	vst v63  }
0x185: {  	_ =	swait.ge [sflag:s0], $0x2800  }
0x186: {  	[sflag:s0] =	ssyncset.done $0x0  }
0x187: {  	[sflag:s0] =	ssyncadd.s32 $0xFFFFD800  }
0x188: {  	_ =	swait.ge [sflag:s9], $0x2800  }
0x189: {  	[sflag:s9] =	ssyncset.done $0x0  }
0x18a: {  	[sflag:s9] =	ssyncadd.s32 $0xFFFFD800  }
0x18b: {  	[bflag:$0x0] =	sbarrier.arrive $0xFFFF  }
0x18c: {  	[tilespmem:s23], [sflag:$0x9] =	stream.linear.gather [spmem:s13], $0x5000, $0x38;
	[tilespmem:$0x1E000] =	vst v63  }
0x18d: {  	s1 =	sadd.s32 $0x1, s1;
	_ =	swait.ge [sflag:s18], $0x5000  }
0x18e: {  	p0 =	sne.s32 s1, s16;
	[sflag:s18] =	ssyncset.done $0x0  }
.Ltmp4:
0x18f: {  	s10 =	rddreg [dreg:$0x6];
	[sflag:s18] =	ssyncadd.s32 $0xFFFFB000;
	(pc) =	sbr.rel @p0 .LBB2_1-.Ltmp4, $4  }
0x190: {  	[hbm4b:s10+s3] =	stream.linear.scatter [tilespmem:s23], [sflag:$0x9], $0x5000, $0x38;
	[tilespmem:$0x1E000] =	vst v63  }
0x191: {  	_ =	swait.ge [sflag:s18], $0x5000  }
0x192: {  	[sflag:s18] =	ssyncset.done $0x0  }
0x193: {  	[sflag:s18] =	ssyncadd.s32 $0xFFFFB000  }
0x194: {  	_ =	sfence.sel $0x180000  }
0x195: {  	[bflag:$0x0] =	sbarrier.arrive $0xFFFF  }
0x196: {  	_ =	strace $0x90000047  }
0x197: {  	s0 =	stileid.u32;
	[bflag:$0x2] =	sbarrier.arrive $0xFFFF  }
0x198: {  	p0 =	sne.s32 s0, $0x0;
	s0 =	rddreg [dreg:$0x2]  }
0x199: {  	s0 =	sadd.s32 @!p0 $0x100000, s0  }
0x19a: {  	[sflag:s0] =	ssyncadd.tile.s32 @!p0 $0x1;
	_ =	shalt  }
.Lfunc_end2:
_tile_overlayer_lowered:
.L_overlay_start_2:
0x19b: {  	(tag) =	ssettag $0x2  }
0x19c: {  	s0 =	rddreg [dreg:$0x0];
	s2 =	stileid.u32  }
0x19d: {  	s1 =	rddreg [dreg:$0x1];
	p0 =	sne.s32 s2, $0x0  }
0x19e: {  	s3 =	rddreg [dreg:$0x2];
	[bflag:$0x3] =	sbarrier.arrive $0xFFFF;
	s2 =	simm.s32 @!p0 $0x1C09  }
0x19f: {  	[timem:s3], [sflag:s2] =	dma.local @!p0 [hbm:s0], s1  }
0x1a0: {  	s0 =	simm.s32 @!p0 $0x9  }
0x1a1: {  	_ =	swait.ge @!p0 [sflag:s0], s1  }
0x1a2: {  	s1 =	ssub.s32 @!p0 $0x0, s1;
	[sflag:s0] =	ssyncset.done @!p0 $0x0  }
0x1a3: {  	[sflag:s0] =	ssyncadd.s32 @!p0 s1  }
0x1a4: {  	[bflag:$0x3] =	sbarrier.arrive $0xFFFF  }
0x1a5: {  	_ =	shalt  }

</sc_bundles>
